<compile_context>
chip_gen: v7x
topology: tpu7x:2x2x1
jax: 0.10.2.dev20260603
libtpu: 0.0.44.dev20260713+nightly
codegen_flags: <defaults>
</compile_context>

<pallas_src>
import functools

import jax
import jax.numpy as jnp
from jax import lax
from jax.experimental import pallas as pl
from jax.experimental.pallas import tpu as pltpu
from jax.experimental.pallas import tpu_sc as plsc

B = 32
C = 9605
LANES = 16
CP = 9616
NCHUNK = CP // LANES
NG = 8
GW = 20
HEAD = NG * GW
NEG_INF = float("-inf")


def _sigv(t):
    return 1.0 / (1.0 + jnp.exp(-t))


def _rankv(x1, x2):
    v = x2 - x1 + 0.1
    s = 1.0 / (1.0 + jnp.exp(-5.0 * v))
    return jnp.where(v > 0.0, 2.0 * s, s)


def _sc_loss(x_pad, y_head):
    mesh = plsc.VectorSubcoreMesh(core_axis_name="c", subcore_axis_name="s")

    @functools.partial(
        pl.kernel,
        out_type=jax.ShapeDtypeStruct((2, LANES), jnp.float32),
        mesh=mesh,
        compiler_params=pltpu.CompilerParams(needs_layout_passes=False),
        scratch_types=[
            pltpu.VMEM((CP,), jnp.float32),
            pltpu.VMEM((HEAD,), jnp.float32),
            pltpu.VMEM((LANES,), jnp.float32),
            pltpu.VMEM((LANES,), jnp.float32),
            pltpu.VMEM_SHARED((LANES,), jnp.float32),
        ],
    )
    def body(x_hbm, y_hbm, out_hbm, xv, yv, lv, outv, shared):
        cid = lax.axis_index("c")
        sid = lax.axis_index("s")
        row = cid * 16 + sid

        pltpu.sync_copy(x_hbm.at[row], xv)
        pltpu.sync_copy(y_hbm.at[row], yv)

        lane = lax.iota(jnp.int32, LANES)

        c0 = xv[0:LANES]
        cur0 = jnp.sort(c0)

        def chunk(c, cur):
            v = xv[pl.ds(c * LANES, LANES)]
            vd = plsc.sort_key_val(v, v, descending=True)[0]
            return jnp.sort(jnp.maximum(cur, vd))

        curf = lax.fori_loop(1, NCHUNK, chunk, cur0)
        t16 = curf[0]

        acc = c0
        for cc in range(1, HEAD // LANES):
            acc = jnp.maximum(acc, xv[cc * LANES:(cc + 1) * LANES])
        m160 = jnp.max(acc)

        tail = lane >= 4
        found = jnp.int32(0)
        nog = jnp.float32(NEG_INF)
        gmax_sel = jnp.full((LANES,), NEG_INF, jnp.float32)
        for g in range(NG):
            ya = yv[pl.ds(g * GW, LANES)]
            yb = yv[pl.ds(g * GW + 4, LANES)]
            ym = jnp.maximum(ya, jnp.where(tail, yb, 0.0))
            pos = plsc.all_reduce_population_count(ym > 0.0)[0] > 0
            xa = xv[pl.ds(g * GW, LANES)]
            xb = xv[pl.ds(g * GW + 4, LANES)]
            xm = jnp.maximum(xa, jnp.where(tail, xb, NEG_INF))
            sel = pos & (found == 0)
            gmax_sel = jnp.where(jnp.broadcast_to(sel, (LANES,)), xm, gmax_sel)
            nog = jnp.where(pos, nog, jnp.maximum(nog, c0[g]))
            found = jnp.where(pos, jnp.int32(1), found)
        gm_sel = jnp.max(gmax_sel)

        top_thres = jnp.maximum(_sigv(jnp.broadcast_to(t16, (LANES,))), 0.5)
        lr_other = _rankv(top_thres, _sigv(jnp.broadcast_to(m160, (LANES,))))
        x2v = jnp.maximum(_sigv(jnp.broadcast_to(nog, (LANES,))), top_thres)
        lr_gt = _rankv(_sigv(jnp.broadcast_to(gm_sel, (LANES,))), x2v)
        foundv = jnp.broadcast_to(found, (LANES,))
        lv[...] = jnp.where(foundv == 0, lr_other, lr_gt)

        @pl.when(sid == 0)
        def _():
            outv[...] = jnp.zeros((LANES,), jnp.float32)
            pltpu.sync_copy(outv, shared)

        plsc.subcore_barrier()
        pltpu.sync_copy(lv, shared.at[lane], add=True)
        plsc.subcore_barrier()

        @pl.when(sid == 0)
        def _():
            pltpu.sync_copy(shared, outv)
            pltpu.sync_copy(outv, out_hbm.at[cid])

    return body(x_pad, y_head)


def kernel(x, y, y_neg):
    del y_neg
    x_pad = jnp.pad(x, ((0, 0), (0, CP - C)), constant_values=NEG_INF)
    y_head = y[:, :HEAD]
    out = _sc_loss(x_pad, y_head)
    return out[0, 0] + out[1, 0]

# --- scband reference (transcript-rebuilt; emitter-appended) ---
"""Pipeline reference for scband-asymmetric-loss-custom-priority-rank-new-18064632447151 (READ-ONLY COPY).

The authoritative reference and input builder live on the scoring server;
editing this copy changes nothing except your own understanding.
"""

import jax, jax.numpy as jnp
import numpy as np

C = 9605
L = 8
GROUP = 20
ALPHA1 = 0.1
ALPHA2 = 2.0
ALPHA3 = 5.0
ALPHA_OTHER = 0.5

WL_IDX = [np.arange(k * GROUP, (k + 1) * GROUP) for k in range(L)]
ALL_WL = np.sort(np.concatenate(WL_IDX))


def _rank_loss(x1, x2, margin):
    v = x2 - x1 + margin
    s = 1.0 / (1.0 + jnp.exp(-ALPHA3 * v))
    return jnp.where(v > 0, ALPHA2 * s, s)


def _forward(x, y):
    xs = jax.nn.sigmoid(x)
    losses = []
    for i in range(x.shape[0]):
        xs_i = xs[i]
        g = jnp.sum(y[i, : L * GROUP].reshape(L, GROUP), axis=1)
        pos = g > 0
        gt0 = jnp.where(jnp.any(pos), jnp.argmax(pos), L)
        x_sorted = jnp.sort(xs_i)[::-1]
        top_k_thres = jnp.maximum(x_sorted[15], ALPHA_OTHER)
        all_non_others = jnp.take(xs_i, jnp.asarray(ALL_WL))
        lr_other = _rank_loss(top_k_thres, jnp.max(all_non_others), ALPHA1)
        non_others_non_gt = jnp.max(
            jnp.where(pos, jnp.asarray(0.0, dtype=xs_i.dtype), xs_i[:L])
        )
        top_k_gt = jax.lax.dynamic_slice(xs_i, (gt0 * GROUP,), (GROUP,))
        lr_gt = _rank_loss(
            jnp.max(top_k_gt), jnp.maximum(non_others_non_gt, top_k_thres), ALPHA1
        )
        lr = jnp.where(gt0 == L, lr_other, lr_gt)
        losses.append(lr)
    return jnp.sum(jnp.stack(losses))


def setup_inputs(seed: int = 0):
    key = jax.random.key(seed)
    k1, k2, k3 = jax.random.split(key, 3)
    B = 32
    x = jax.random.normal(k1, (B, C), dtype=jnp.float32)
    y = (jax.random.uniform(k2, (B, C)) < 0.002).astype(jnp.float32)
    y_neg = (jax.random.uniform(k3, (B, C)) < 0.002).astype(jnp.float32)
    return {"x": x, "y": y, "y_neg": y_neg}


def reference(x, y, y_neg):
    return _forward(x, y) + 0.0 * jnp.sum(y_neg)

if __name__ == "__main__":
    import jax
    _d = setup_inputs()
    print(jax.jit(kernel)(*tuple(_d.values())))

</pallas_src>

<mosaic_0001>
#map = affine_map<(d0, d1) -> (0, 0)>
module attributes {stable_mosaic.version = 14 : i64} {
  func.func @body(%arg0: i32, %arg1: i32, %arg2: memref<32x9616xf32, #tpu.memory_space<hbm>>, %arg3: memref<32x160xf32, #tpu.memory_space<hbm>>, %arg4: memref<2x16xf32, #tpu.memory_space<hbm>>, %arg5: memref<9616xf32, #tpu.memory_space<vmem>>, %arg6: memref<160xf32, #tpu.memory_space<vmem>>, %arg7: memref<16xf32, #tpu.memory_space<vmem>>, %arg8: memref<16xf32, #tpu.memory_space<vmem>>, %arg9: memref<16xf32, #tpu.memory_space<vmem_shared>>) attributes {dimension_semantics = [#tpu.dimension_semantics<core_parallel>, #tpu.dimension_semantics<subcore_parallel>], iteration_bounds = array<i64: 2, 16>, scalar_prefetch = 0 : i64, scratch_operands = 5 : i64, tpu.core_type = #tpu.core_type<sc_vector_subcore>, window_params = [{transform_indices = #map}, {transform_indices = #map}, {transform_indices = #map}]} {
    %mul3A = arith.constant 16 : i32
    %mul3A_0 = arith.muli %arg0, %mul3A : i32
    %add3A = arith.addi %mul3A_0, %arg1 : i32
    "tpu.region"() ({
      %run_scoped3A = tpu.sem_alloc : memref<!tpu.dma_semaphore, #tpu.memory_space<semaphore_mem>>
      %dma_start3A = arith.constant 0 : i32
      %dma_start3A_425 = tpu.memref_slice %arg2[%add3A, %dma_start3A] : memref<32x9616xf32, #tpu.memory_space<hbm>> -> memref<1x9616xf32, #tpu.memory_space<hbm>>
      %dma_start3A_426 = tpu.memref_squeeze %dma_start3A_425 : memref<1x9616xf32, #tpu.memory_space<hbm>> -> memref<9616xf32, #tpu.memory_space<hbm>>
      %dma_start3A_427 = arith.constant 0 : i32
      %dma_start3A_428 = tpu.memref_slice %arg2[%add3A, %dma_start3A_427] : memref<32x9616xf32, #tpu.memory_space<hbm>> -> memref<1x9616xf32, #tpu.memory_space<hbm>>
      %dma_start3A_429 = tpu.memref_squeeze %dma_start3A_428 : memref<1x9616xf32, #tpu.memory_space<hbm>> -> memref<9616xf32, #tpu.memory_space<hbm>>
      tpu.enqueue_dma source(%dma_start3A_429 : memref<9616xf32, #tpu.memory_space<hbm>>) target(%arg5 : memref<9616xf32, #tpu.memory_space<vmem>>) target_semaphore(%run_scoped3A : memref<!tpu.dma_semaphore, #tpu.memory_space<semaphore_mem>>)
      %dma_wait3A = arith.constant 0 : i32
      %dma_wait3A_430 = tpu.memref_slice %arg2[%add3A, %dma_wait3A] : memref<32x9616xf32, #tpu.memory_space<hbm>> -> memref<1x9616xf32, #tpu.memory_space<hbm>>
      %dma_wait3A_431 = tpu.memref_squeeze %dma_wait3A_430 : memref<1x9616xf32, #tpu.memory_space<hbm>> -> memref<9616xf32, #tpu.memory_space<hbm>>
      %dma_wait3A_432 = arith.constant 0 : i32
      %dma_wait3A_433 = tpu.memref_slice %arg2[%add3A, %dma_wait3A_432] : memref<32x9616xf32, #tpu.memory_space<hbm>> -> memref<1x9616xf32, #tpu.memory_space<hbm>>
      %dma_wait3A_434 = tpu.memref_squeeze %dma_wait3A_433 : memref<1x9616xf32, #tpu.memory_space<hbm>> -> memref<9616xf32, #tpu.memory_space<hbm>>
      tpu.wait_dma2 semaphore(%run_scoped3A : memref<!tpu.dma_semaphore, #tpu.memory_space<semaphore_mem>>) src(%dma_wait3A_434 : memref<9616xf32, #tpu.memory_space<hbm>>) dst(%arg5 : memref<9616xf32, #tpu.memory_space<vmem>>)
      tpu.yield
    }) : () -> ()
    "tpu.region"() ({
      %run_scoped3A = tpu.sem_alloc : memref<!tpu.dma_semaphore, #tpu.memory_space<semaphore_mem>>
      %dma_start3A = arith.constant 0 : i32
      %dma_start3A_425 = tpu.memref_slice %arg3[%add3A, %dma_start3A] : memref<32x160xf32, #tpu.memory_space<hbm>> -> memref<1x160xf32, #tpu.memory_space<hbm>>
      %dma_start3A_426 = tpu.memref_squeeze %dma_start3A_425 : memref<1x160xf32, #tpu.memory_space<hbm>> -> memref<160xf32, #tpu.memory_space<hbm>>
      %dma_start3A_427 = arith.constant 0 : i32
      %dma_start3A_428 = tpu.memref_slice %arg3[%add3A, %dma_start3A_427] : memref<32x160xf32, #tpu.memory_space<hbm>> -> memref<1x160xf32, #tpu.memory_space<hbm>>
      %dma_start3A_429 = tpu.memref_squeeze %dma_start3A_428 : memref<1x160xf32, #tpu.memory_space<hbm>> -> memref<160xf32, #tpu.memory_space<hbm>>
      tpu.enqueue_dma source(%dma_start3A_429 : memref<160xf32, #tpu.memory_space<hbm>>) target(%arg6 : memref<160xf32, #tpu.memory_space<vmem>>) target_semaphore(%run_scoped3A : memref<!tpu.dma_semaphore, #tpu.memory_space<semaphore_mem>>)
      %dma_wait3A = arith.constant 0 : i32
      %dma_wait3A_430 = tpu.memref_slice %arg3[%add3A, %dma_wait3A] : memref<32x160xf32, #tpu.memory_space<hbm>> -> memref<1x160xf32, #tpu.memory_space<hbm>>
      %dma_wait3A_431 = tpu.memref_squeeze %dma_wait3A_430 : memref<1x160xf32, #tpu.memory_space<hbm>> -> memref<160xf32, #tpu.memory_space<hbm>>
      %dma_wait3A_432 = arith.constant 0 : i32
      %dma_wait3A_433 = tpu.memref_slice %arg3[%add3A, %dma_wait3A_432] : memref<32x160xf32, #tpu.memory_space<hbm>> -> memref<1x160xf32, #tpu.memory_space<hbm>>
      %dma_wait3A_434 = tpu.memref_squeeze %dma_wait3A_433 : memref<1x160xf32, #tpu.memory_space<hbm>> -> memref<160xf32, #tpu.memory_space<hbm>>
      tpu.wait_dma2 semaphore(%run_scoped3A : memref<!tpu.dma_semaphore, #tpu.memory_space<semaphore_mem>>) src(%dma_wait3A_434 : memref<160xf32, #tpu.memory_space<hbm>>) dst(%arg6 : memref<160xf32, #tpu.memory_space<vmem>>)
      tpu.yield
    }) : () -> ()
    %iota3A = tpu.iota {dimensions = array<i32: 0>} : vector<16xi32>
    %get3A = arith.constant 0 : index
    %get3A_1 = tpu.vector_load %arg5[%get3A] {strides = array<i32>} : memref<9616xf32, #tpu.memory_space<vmem>>, vector<16xf32>,
    %sort3A = arith.constant dense<true> : vector<16xi1>
    %sort3A_2, %sort3A_3, %sort3A_4 = tpu.sort %get3A_1, %get3A_1 masked %sort3A : (vector<16xf32>, vector<16xf32>, vector<16xi1>) -> (vector<16xi1>, vector<16xf32>, vector<16xf32>)
    %scan3A = arith.constant 1 : i32
    %scan3A_5 = arith.constant 600 : i32
    %scan3A_6 = arith.addi %scan3A, %scan3A_5 : i32
    %scan3A_7 = arith.constant 1 : i32
    %scan3A_8 = scf.for %scan3A_425 = %scan3A to %scan3A_6 step %scan3A_7 iter_args(%scan3A_426 = %sort3A_3) -> (vector<16xf32>)  : i32 {
      %mul3A_427 = arith.constant 16 : i32
      %mul3A_428 = arith.muli %scan3A_425, %mul3A_427 : i32
      %get3A_429 = arith.index_cast %mul3A_428 : i32 to index
      %get3A_430 = tpu.vector_load %arg5[%get3A_429] {strides = array<i32>} : memref<9616xf32, #tpu.memory_space<vmem>>, vector<16xf32>,
      %masked_sort3A = arith.constant dense<true> : vector<16xi1>
      %masked_sort3A_431, %masked_sort3A_432, %masked_sort3A_433 = tpu.sort %get3A_430, %get3A_430 masked %masked_sort3A {descending = true} : (vector<16xf32>, vector<16xf32>, vector<16xi1>) -> (vector<16xi1>, vector<16xf32>, vector<16xf32>)
      %max3A_434 = arith.maximumf %scan3A_426, %masked_sort3A_432 : vector<16xf32>
      %sort3A_435 = arith.constant dense<true> : vector<16xi1>
      %sort3A_436, %sort3A_437, %sort3A_438 = tpu.sort %max3A_434, %max3A_434 masked %sort3A_435 : (vector<16xf32>, vector<16xf32>, vector<16xi1>) -> (vector<16xi1>, vector<16xf32>, vector<16xf32>)
      scf.yield %sort3A_437 : vector<16xf32>
    }
    %scan3A_9 = arith.constant 600 : i32
    %slice3A = vector.extract_strided_slice %scan3A_8 {offsets = [0], sizes = [1], strides = [1]} : vector<16xf32> to vector<1xf32>
    %squeeze3A = vector.extract %slice3A[0] : f32 from vector<1xf32>
    %get3A_10 = arith.constant 16 : index
    %get3A_11 = tpu.vector_load %arg5[%get3A_10] {strides = array<i32>} : memref<9616xf32, #tpu.memory_space<vmem>>, vector<16xf32>,
    %max3A = arith.maximumf %get3A_1, %get3A_11 : vector<16xf32>
    %get3A_12 = arith.constant 32 : index
    %get3A_13 = tpu.vector_load %arg5[%get3A_12] {strides = array<i32>} : memref<9616xf32, #tpu.memory_space<vmem>>, vector<16xf32>,
    %max3A_14 = arith.maximumf %max3A, %get3A_13 : vector<16xf32>
    %get3A_15 = arith.constant 48 : index
    %get3A_16 = tpu.vector_load %arg5[%get3A_15] {strides = array<i32>} : memref<9616xf32, #tpu.memory_space<vmem>>, vector<16xf32>,
    %max3A_17 = arith.maximumf %max3A_14, %get3A_16 : vector<16xf32>
    %get3A_18 = arith.constant 64 : index
    %get3A_19 = tpu.vector_load %arg5[%get3A_18] {strides = array<i32>} : memref<9616xf32, #tpu.memory_space<vmem>>, vector<16xf32>,
    %max3A_20 = arith.maximumf %max3A_17, %get3A_19 : vector<16xf32>
    %get3A_21 = arith.constant 80 : index
    %get3A_22 = tpu.vector_load %arg5[%get3A_21] {strides = array<i32>} : memref<9616xf32, #tpu.memory_space<vmem>>, vector<16xf32>,
    %max3A_23 = arith.maximumf %max3A_20, %get3A_22 : vector<16xf32>
    %get3A_24 = arith.constant 96 : index
    %get3A_25 = tpu.vector_load %arg5[%get3A_24] {strides = array<i32>} : memref<9616xf32, #tpu.memory_space<vmem>>, vector<16xf32>,
    %max3A_26 = arith.maximumf %max3A_23, %get3A_25 : vector<16xf32>
    %get3A_27 = arith.constant 112 : index
    %get3A_28 = tpu.vector_load %arg5[%get3A_27] {strides = array<i32>} : memref<9616xf32, #tpu.memory_space<vmem>>, vector<16xf32>,
    %max3A_29 = arith.maximumf %max3A_26, %get3A_28 : vector<16xf32>
    %get3A_30 = arith.constant 128 : index
    %get3A_31 = tpu.vector_load %arg5[%get3A_30] {strides = array<i32>} : memref<9616xf32, #tpu.memory_space<vmem>>, vector<16xf32>,
    %max3A_32 = arith.maximumf %max3A_29, %get3A_31 : vector<16xf32>
    %get3A_33 = arith.constant 144 : index
    %get3A_34 = tpu.vector_load %arg5[%get3A_33] {strides = array<i32>} : memref<9616xf32, #tpu.memory_space<vmem>>, vector<16xf32>,
    %max3A_35 = arith.maximumf %max3A_32, %get3A_34 : vector<16xf32>
    %reduce_max3A = arith.constant true
    %reduce_max3A_36 = vector.broadcast %reduce_max3A : i1 to vector<16xi1>
    %reduce_max3A_37 = tpu.scan <max>, %max3A_35 masked %reduce_max3A_36 : vector<16xf32>, vector<16xi1> -> vector<16xf32>
    %reduce_max3A_38 = vector.extract %reduce_max3A_37[15] : f32 from vector<16xf32>
    %ge3A = arith.constant 4 : i32
    %ge3A_39 = vector.broadcast %ge3A : i32 to vector<16xi32>
    %ge3A_40 = arith.cmpi sge, %iota3A, %ge3A_39 : vector<16xi32>
    %broadcast_in_dim3A = arith.constant 0xFF800000 : f32
    %broadcast_in_dim3A_41 = vector.broadcast %broadcast_in_dim3A : f32 to vector<16xf32>
    %get3A_42 = arith.constant 0 : index
    %get3A_43 = tpu.vector_load %arg6[%get3A_42] {strides = array<i32>} : memref<160xf32, #tpu.memory_space<vmem>>, vector<16xf32>,
    %get3A_44 = arith.constant 4 : index
    %get3A_45 = tpu.vector_load %arg6[%get3A_44] {strides = array<i32>} : memref<160xf32, #tpu.memory_space<vmem>>, vector<16xf32>,
    %jit3A = arith.constant 0.000000e+00 : f32
    %broadcast_in_dim3A_46 = vector.broadcast %jit3A : f32 to vector<16xf32>
    %select_n3A = arith.select %ge3A_40, %get3A_45, %broadcast_in_dim3A_46 : vector<16xi1>, vector<16xf32>
    %max3A_47 = arith.maximumf %get3A_43, %select_n3A : vector<16xf32>
    %gt3A = arith.constant 0.000000e+00 : f32
    %gt3A_48 = vector.broadcast %gt3A : f32 to vector<16xf32>
    %gt3A_49 = arith.cmpf ogt, %max3A_47, %gt3A_48 : vector<16xf32>
    %all_reduce_population_count3A = tpu.all_reduce %gt3A_49 {dim = 0 : i64, kind = #tpu.reduction_kind<sum>} : vector<16xi1> -> vector<16xi32>
    %slice3A_50 = vector.extract_strided_slice %all_reduce_population_count3A {offsets = [0], sizes = [1], strides = [1]} : vector<16xi32> to vector<1xi32>
    %squeeze3A_51 = vector.extract %slice3A_50[0] : i32 from vector<1xi32>
    %gt3A_52 = arith.constant 0 : i32
    %gt3A_53 = arith.cmpi sgt, %squeeze3A_51, %gt3A_52 : i32
    %get3A_54 = arith.constant 0 : index
    %get3A_55 = tpu.vector_load %arg5[%get3A_54] {strides = array<i32>} : memref<9616xf32, #tpu.memory_space<vmem>>, vector<16xf32>,
    %get3A_56 = arith.constant 4 : index
    %get3A_57 = tpu.vector_load %arg5[%get3A_56] {strides = array<i32>} : memref<9616xf32, #tpu.memory_space<vmem>>, vector<16xf32>,
    %jit3A_58 = arith.constant 0xFF800000 : f32
    %broadcast_in_dim3A_59 = vector.broadcast %jit3A_58 : f32 to vector<16xf32>
    %select_n3A_60 = arith.select %ge3A_40, %get3A_57, %broadcast_in_dim3A_59 : vector<16xi1>, vector<16xf32>
    %max3A_61 = arith.maximumf %get3A_55, %select_n3A_60 : vector<16xf32>
    %eq3A = arith.constant 0 : i32
    %eq3A_62 = arith.constant 0 : i32
    %eq3A_63 = arith.cmpi eq, %eq3A, %eq3A_62 : i32
    %and3A = arith.andi %gt3A_53, %eq3A_63 : i1
    %broadcast_in_dim3A_64 = vector.broadcast %and3A : i1 to vector<16xi1>
    %select_n3A_65 = arith.select %broadcast_in_dim3A_64, %max3A_61, %broadcast_in_dim3A_41 : vector<16xi1>, vector<16xf32>
    %slice3A_66 = vector.extract_strided_slice %get3A_1 {offsets = [0], sizes = [1], strides = [1]} : vector<16xf32> to vector<1xf32>
    %squeeze3A_67 = vector.extract %slice3A_66[0] : f32 from vector<1xf32>
    %max3A_68 = arith.constant 0xFF800000 : f32
    %max3A_69 = arith.maximumf %max3A_68, %squeeze3A_67 : f32
    %jit3A_70 = arith.constant 0xFF800000 : f32
    %select_n3A_71 = arith.select %gt3A_53, %jit3A_70, %max3A_69 : f32
    %jit3A_72 = arith.constant 1 : i32
    %jit3A_73 = arith.constant 0 : i32
    %select_n3A_74 = arith.select %gt3A_53, %jit3A_72, %jit3A_73 : i32
    %get3A_75 = arith.constant 20 : index
    %get3A_76 = tpu.vector_load %arg6[%get3A_75] {strides = array<i32>} : memref<160xf32, #tpu.memory_space<vmem>>, vector<16xf32>,
    %get3A_77 = arith.constant 24 : index
    %get3A_78 = tpu.vector_load %arg6[%get3A_77] {strides = array<i32>} : memref<160xf32, #tpu.memory_space<vmem>>, vector<16xf32>,
    %jit3A_79 = arith.constant 0.000000e+00 : f32
    %broadcast_in_dim3A_80 = vector.broadcast %jit3A_79 : f32 to vector<16xf32>
    %select_n3A_81 = arith.select %ge3A_40, %get3A_78, %broadcast_in_dim3A_80 : vector<16xi1>, vector<16xf32>
    %max3A_82 = arith.maximumf %get3A_76, %select_n3A_81 : vector<16xf32>
    %gt3A_83 = arith.constant 0.000000e+00 : f32
    %gt3A_84 = vector.broadcast %gt3A_83 : f32 to vector<16xf32>
    %gt3A_85 = arith.cmpf ogt, %max3A_82, %gt3A_84 : vector<16xf32>
    %all_reduce_population_count3A_86 = tpu.all_reduce %gt3A_85 {dim = 0 : i64, kind = #tpu.reduction_kind<sum>} : vector<16xi1> -> vector<16xi32>
    %slice3A_87 = vector.extract_strided_slice %all_reduce_population_count3A_86 {offsets = [0], sizes = [1], strides = [1]} : vector<16xi32> to vector<1xi32>
    %squeeze3A_88 = vector.extract %slice3A_87[0] : i32 from vector<1xi32>
    %gt3A_89 = arith.constant 0 : i32
    %gt3A_90 = arith.cmpi sgt, %squeeze3A_88, %gt3A_89 : i32
    %get3A_91 = arith.constant 20 : index
    %get3A_92 = tpu.vector_load %arg5[%get3A_91] {strides = array<i32>} : memref<9616xf32, #tpu.memory_space<vmem>>, vector<16xf32>,
    %get3A_93 = arith.constant 24 : index
    %get3A_94 = tpu.vector_load %arg5[%get3A_93] {strides = array<i32>} : memref<9616xf32, #tpu.memory_space<vmem>>, vector<16xf32>,
    %jit3A_95 = arith.constant 0xFF800000 : f32
    %broadcast_in_dim3A_96 = vector.broadcast %jit3A_95 : f32 to vector<16xf32>
    %select_n3A_97 = arith.select %ge3A_40, %get3A_94, %broadcast_in_dim3A_96 : vector<16xi1>, vector<16xf32>
    %max3A_98 = arith.maximumf %get3A_92, %select_n3A_97 : vector<16xf32>
    %eq3A_99 = arith.constant 0 : i32
    %eq3A_100 = arith.cmpi eq, %select_n3A_74, %eq3A_99 : i32
    %and3A_101 = arith.andi %gt3A_90, %eq3A_100 : i1
    %broadcast_in_dim3A_102 = vector.broadcast %and3A_101 : i1 to vector<16xi1>
    %select_n3A_103 = arith.select %broadcast_in_dim3A_102, %max3A_98, %select_n3A_65 : vector<16xi1>, vector<16xf32>
    %slice3A_104 = vector.extract_strided_slice %get3A_1 {offsets = [1], sizes = [1], strides = [1]} : vector<16xf32> to vector<1xf32>
    %squeeze3A_105 = vector.extract %slice3A_104[0] : f32 from vector<1xf32>
    %max3A_106 = arith.maximumf %select_n3A_71, %squeeze3A_105 : f32
    %select_n3A_107 = arith.select %gt3A_90, %select_n3A_71, %max3A_106 : f32
    %jit3A_108 = arith.constant 1 : i32
    %select_n3A_109 = arith.select %gt3A_90, %jit3A_108, %select_n3A_74 : i32
    %get3A_110 = arith.constant 40 : index
    %get3A_111 = tpu.vector_load %arg6[%get3A_110] {strides = array<i32>} : memref<160xf32, #tpu.memory_space<vmem>>, vector<16xf32>,
    %get3A_112 = arith.constant 44 : index
    %get3A_113 = tpu.vector_load %arg6[%get3A_112] {strides = array<i32>} : memref<160xf32, #tpu.memory_space<vmem>>, vector<16xf32>,
    %jit3A_114 = arith.constant 0.000000e+00 : f32
    %broadcast_in_dim3A_115 = vector.broadcast %jit3A_114 : f32 to vector<16xf32>
    %select_n3A_116 = arith.select %ge3A_40, %get3A_113, %broadcast_in_dim3A_115 : vector<16xi1>, vector<16xf32>
    %max3A_117 = arith.maximumf %get3A_111, %select_n3A_116 : vector<16xf32>
    %gt3A_118 = arith.constant 0.000000e+00 : f32
    %gt3A_119 = vector.broadcast %gt3A_118 : f32 to vector<16xf32>
    %gt3A_120 = arith.cmpf ogt, %max3A_117, %gt3A_119 : vector<16xf32>
    %all_reduce_population_count3A_121 = tpu.all_reduce %gt3A_120 {dim = 0 : i64, kind = #tpu.reduction_kind<sum>} : vector<16xi1> -> vector<16xi32>
    %slice3A_122 = vector.extract_strided_slice %all_reduce_population_count3A_121 {offsets = [0], sizes = [1], strides = [1]} : vector<16xi32> to vector<1xi32>
    %squeeze3A_123 = vector.extract %slice3A_122[0] : i32 from vector<1xi32>
    %gt3A_124 = arith.constant 0 : i32
    %gt3A_125 = arith.cmpi sgt, %squeeze3A_123, %gt3A_124 : i32
    %get3A_126 = arith.constant 40 : index
    %get3A_127 = tpu.vector_load %arg5[%get3A_126] {strides = array<i32>} : memref<9616xf32, #tpu.memory_space<vmem>>, vector<16xf32>,
    %get3A_128 = arith.constant 44 : index
    %get3A_129 = tpu.vector_load %arg5[%get3A_128] {strides = array<i32>} : memref<9616xf32, #tpu.memory_space<vmem>>, vector<16xf32>,
    %jit3A_130 = arith.constant 0xFF800000 : f32
    %broadcast_in_dim3A_131 = vector.broadcast %jit3A_130 : f32 to vector<16xf32>
    %select_n3A_132 = arith.select %ge3A_40, %get3A_129, %broadcast_in_dim3A_131 : vector<16xi1>, vector<16xf32>
    %max3A_133 = arith.maximumf %get3A_127, %select_n3A_132 : vector<16xf32>
    %eq3A_134 = arith.constant 0 : i32
    %eq3A_135 = arith.cmpi eq, %select_n3A_109, %eq3A_134 : i32
    %and3A_136 = arith.andi %gt3A_125, %eq3A_135 : i1
    %broadcast_in_dim3A_137 = vector.broadcast %and3A_136 : i1 to vector<16xi1>
    %select_n3A_138 = arith.select %broadcast_in_dim3A_137, %max3A_133, %select_n3A_103 : vector<16xi1>, vector<16xf32>
    %slice3A_139 = vector.extract_strided_slice %get3A_1 {offsets = [2], sizes = [1], strides = [1]} : vector<16xf32> to vector<1xf32>
    %squeeze3A_140 = vector.extract %slice3A_139[0] : f32 from vector<1xf32>
    %max3A_141 = arith.maximumf %select_n3A_107, %squeeze3A_140 : f32
    %select_n3A_142 = arith.select %gt3A_125, %select_n3A_107, %max3A_141 : f32
    %jit3A_143 = arith.constant 1 : i32
    %select_n3A_144 = arith.select %gt3A_125, %jit3A_143, %select_n3A_109 : i32
    %get3A_145 = arith.constant 60 : index
    %get3A_146 = tpu.vector_load %arg6[%get3A_145] {strides = array<i32>} : memref<160xf32, #tpu.memory_space<vmem>>, vector<16xf32>,
    %get3A_147 = arith.constant 64 : index
    %get3A_148 = tpu.vector_load %arg6[%get3A_147] {strides = array<i32>} : memref<160xf32, #tpu.memory_space<vmem>>, vector<16xf32>,
    %jit3A_149 = arith.constant 0.000000e+00 : f32
    %broadcast_in_dim3A_150 = vector.broadcast %jit3A_149 : f32 to vector<16xf32>
    %select_n3A_151 = arith.select %ge3A_40, %get3A_148, %broadcast_in_dim3A_150 : vector<16xi1>, vector<16xf32>
    %max3A_152 = arith.maximumf %get3A_146, %select_n3A_151 : vector<16xf32>
    %gt3A_153 = arith.constant 0.000000e+00 : f32
    %gt3A_154 = vector.broadcast %gt3A_153 : f32 to vector<16xf32>
    %gt3A_155 = arith.cmpf ogt, %max3A_152, %gt3A_154 : vector<16xf32>
    %all_reduce_population_count3A_156 = tpu.all_reduce %gt3A_155 {dim = 0 : i64, kind = #tpu.reduction_kind<sum>} : vector<16xi1> -> vector<16xi32>
    %slice3A_157 = vector.extract_strided_slice %all_reduce_population_count3A_156 {offsets = [0], sizes = [1], strides = [1]} : vector<16xi32> to vector<1xi32>
    %squeeze3A_158 = vector.extract %slice3A_157[0] : i32 from vector<1xi32>
    %gt3A_159 = arith.constant 0 : i32
    %gt3A_160 = arith.cmpi sgt, %squeeze3A_158, %gt3A_159 : i32
    %get3A_161 = arith.constant 60 : index
    %get3A_162 = tpu.vector_load %arg5[%get3A_161] {strides = array<i32>} : memref<9616xf32, #tpu.memory_space<vmem>>, vector<16xf32>,
    %get3A_163 = arith.constant 64 : index
    %get3A_164 = tpu.vector_load %arg5[%get3A_163] {strides = array<i32>} : memref<9616xf32, #tpu.memory_space<vmem>>, vector<16xf32>,
    %jit3A_165 = arith.constant 0xFF800000 : f32
    %broadcast_in_dim3A_166 = vector.broadcast %jit3A_165 : f32 to vector<16xf32>
    %select_n3A_167 = arith.select %ge3A_40, %get3A_164, %broadcast_in_dim3A_166 : vector<16xi1>, vector<16xf32>
    %max3A_168 = arith.maximumf %get3A_162, %select_n3A_167 : vector<16xf32>
    %eq3A_169 = arith.constant 0 : i32
    %eq3A_170 = arith.cmpi eq, %select_n3A_144, %eq3A_169 : i32
    %and3A_171 = arith.andi %gt3A_160, %eq3A_170 : i1
    %broadcast_in_dim3A_172 = vector.broadcast %and3A_171 : i1 to vector<16xi1>
    %select_n3A_173 = arith.select %broadcast_in_dim3A_172, %max3A_168, %select_n3A_138 : vector<16xi1>, vector<16xf32>
    %slice3A_174 = vector.extract_strided_slice %get3A_1 {offsets = [3], sizes = [1], strides = [1]} : vector<16xf32> to vector<1xf32>
    %squeeze3A_175 = vector.extract %slice3A_174[0] : f32 from vector<1xf32>
    %max3A_176 = arith.maximumf %select_n3A_142, %squeeze3A_175 : f32
    %select_n3A_177 = arith.select %gt3A_160, %select_n3A_142, %max3A_176 : f32
    %jit3A_178 = arith.constant 1 : i32
    %select_n3A_179 = arith.select %gt3A_160, %jit3A_178, %select_n3A_144 : i32
    %get3A_180 = arith.constant 80 : index
    %get3A_181 = tpu.vector_load %arg6[%get3A_180] {strides = array<i32>} : memref<160xf32, #tpu.memory_space<vmem>>, vector<16xf32>,
    %get3A_182 = arith.constant 84 : index
    %get3A_183 = tpu.vector_load %arg6[%get3A_182] {strides = array<i32>} : memref<160xf32, #tpu.memory_space<vmem>>, vector<16xf32>,
    %jit3A_184 = arith.constant 0.000000e+00 : f32
    %broadcast_in_dim3A_185 = vector.broadcast %jit3A_184 : f32 to vector<16xf32>
    %select_n3A_186 = arith.select %ge3A_40, %get3A_183, %broadcast_in_dim3A_185 : vector<16xi1>, vector<16xf32>
    %max3A_187 = arith.maximumf %get3A_181, %select_n3A_186 : vector<16xf32>
    %gt3A_188 = arith.constant 0.000000e+00 : f32
    %gt3A_189 = vector.broadcast %gt3A_188 : f32 to vector<16xf32>
    %gt3A_190 = arith.cmpf ogt, %max3A_187, %gt3A_189 : vector<16xf32>
    %all_reduce_population_count3A_191 = tpu.all_reduce %gt3A_190 {dim = 0 : i64, kind = #tpu.reduction_kind<sum>} : vector<16xi1> -> vector<16xi32>
    %slice3A_192 = vector.extract_strided_slice %all_reduce_population_count3A_191 {offsets = [0], sizes = [1], strides = [1]} : vector<16xi32> to vector<1xi32>
    %squeeze3A_193 = vector.extract %slice3A_192[0] : i32 from vector<1xi32>
    %gt3A_194 = arith.constant 0 : i32
    %gt3A_195 = arith.cmpi sgt, %squeeze3A_193, %gt3A_194 : i32
    %get3A_196 = arith.constant 80 : index
    %get3A_197 = tpu.vector_load %arg5[%get3A_196] {strides = array<i32>} : memref<9616xf32, #tpu.memory_space<vmem>>, vector<16xf32>,
    %get3A_198 = arith.constant 84 : index
    %get3A_199 = tpu.vector_load %arg5[%get3A_198] {strides = array<i32>} : memref<9616xf32, #tpu.memory_space<vmem>>, vector<16xf32>,
    %jit3A_200 = arith.constant 0xFF800000 : f32
    %broadcast_in_dim3A_201 = vector.broadcast %jit3A_200 : f32 to vector<16xf32>
    %select_n3A_202 = arith.select %ge3A_40, %get3A_199, %broadcast_in_dim3A_201 : vector<16xi1>, vector<16xf32>
    %max3A_203 = arith.maximumf %get3A_197, %select_n3A_202 : vector<16xf32>
    %eq3A_204 = arith.constant 0 : i32
    %eq3A_205 = arith.cmpi eq, %select_n3A_179, %eq3A_204 : i32
    %and3A_206 = arith.andi %gt3A_195, %eq3A_205 : i1
    %broadcast_in_dim3A_207 = vector.broadcast %and3A_206 : i1 to vector<16xi1>
    %select_n3A_208 = arith.select %broadcast_in_dim3A_207, %max3A_203, %select_n3A_173 : vector<16xi1>, vector<16xf32>
    %slice3A_209 = vector.extract_strided_slice %get3A_1 {offsets = [4], sizes = [1], strides = [1]} : vector<16xf32> to vector<1xf32>
    %squeeze3A_210 = vector.extract %slice3A_209[0] : f32 from vector<1xf32>
    %max3A_211 = arith.maximumf %select_n3A_177, %squeeze3A_210 : f32
    %select_n3A_212 = arith.select %gt3A_195, %select_n3A_177, %max3A_211 : f32
    %jit3A_213 = arith.constant 1 : i32
    %select_n3A_214 = arith.select %gt3A_195, %jit3A_213, %select_n3A_179 : i32
    %get3A_215 = arith.constant 100 : index
    %get3A_216 = tpu.vector_load %arg6[%get3A_215] {strides = array<i32>} : memref<160xf32, #tpu.memory_space<vmem>>, vector<16xf32>,
    %get3A_217 = arith.constant 104 : index
    %get3A_218 = tpu.vector_load %arg6[%get3A_217] {strides = array<i32>} : memref<160xf32, #tpu.memory_space<vmem>>, vector<16xf32>,
    %jit3A_219 = arith.constant 0.000000e+00 : f32
    %broadcast_in_dim3A_220 = vector.broadcast %jit3A_219 : f32 to vector<16xf32>
    %select_n3A_221 = arith.select %ge3A_40, %get3A_218, %broadcast_in_dim3A_220 : vector<16xi1>, vector<16xf32>
    %max3A_222 = arith.maximumf %get3A_216, %select_n3A_221 : vector<16xf32>
    %gt3A_223 = arith.constant 0.000000e+00 : f32
    %gt3A_224 = vector.broadcast %gt3A_223 : f32 to vector<16xf32>
    %gt3A_225 = arith.cmpf ogt, %max3A_222, %gt3A_224 : vector<16xf32>
    %all_reduce_population_count3A_226 = tpu.all_reduce %gt3A_225 {dim = 0 : i64, kind = #tpu.reduction_kind<sum>} : vector<16xi1> -> vector<16xi32>
    %slice3A_227 = vector.extract_strided_slice %all_reduce_population_count3A_226 {offsets = [0], sizes = [1], strides = [1]} : vector<16xi32> to vector<1xi32>
    %squeeze3A_228 = vector.extract %slice3A_227[0] : i32 from vector<1xi32>
    %gt3A_229 = arith.constant 0 : i32
    %gt3A_230 = arith.cmpi sgt, %squeeze3A_228, %gt3A_229 : i32
    %get3A_231 = arith.constant 100 : index
    %get3A_232 = tpu.vector_load %arg5[%get3A_231] {strides = array<i32>} : memref<9616xf32, #tpu.memory_space<vmem>>, vector<16xf32>,
    %get3A_233 = arith.constant 104 : index
    %get3A_234 = tpu.vector_load %arg5[%get3A_233] {strides = array<i32>} : memref<9616xf32, #tpu.memory_space<vmem>>, vector<16xf32>,
    %jit3A_235 = arith.constant 0xFF800000 : f32
    %broadcast_in_dim3A_236 = vector.broadcast %jit3A_235 : f32 to vector<16xf32>
    %select_n3A_237 = arith.select %ge3A_40, %get3A_234, %broadcast_in_dim3A_236 : vector<16xi1>, vector<16xf32>
    %max3A_238 = arith.maximumf %get3A_232, %select_n3A_237 : vector<16xf32>
    %eq3A_239 = arith.constant 0 : i32
    %eq3A_240 = arith.cmpi eq, %select_n3A_214, %eq3A_239 : i32
    %and3A_241 = arith.andi %gt3A_230, %eq3A_240 : i1
    %broadcast_in_dim3A_242 = vector.broadcast %and3A_241 : i1 to vector<16xi1>
    %select_n3A_243 = arith.select %broadcast_in_dim3A_242, %max3A_238, %select_n3A_208 : vector<16xi1>, vector<16xf32>
    %slice3A_244 = vector.extract_strided_slice %get3A_1 {offsets = [5], sizes = [1], strides = [1]} : vector<16xf32> to vector<1xf32>
    %squeeze3A_245 = vector.extract %slice3A_244[0] : f32 from vector<1xf32>
    %max3A_246 = arith.maximumf %select_n3A_212, %squeeze3A_245 : f32
    %select_n3A_247 = arith.select %gt3A_230, %select_n3A_212, %max3A_246 : f32
    %jit3A_248 = arith.constant 1 : i32
    %select_n3A_249 = arith.select %gt3A_230, %jit3A_248, %select_n3A_214 : i32
    %get3A_250 = arith.constant 120 : index
    %get3A_251 = tpu.vector_load %arg6[%get3A_250] {strides = array<i32>} : memref<160xf32, #tpu.memory_space<vmem>>, vector<16xf32>,
    %get3A_252 = arith.constant 124 : index
    %get3A_253 = tpu.vector_load %arg6[%get3A_252] {strides = array<i32>} : memref<160xf32, #tpu.memory_space<vmem>>, vector<16xf32>,
    %jit3A_254 = arith.constant 0.000000e+00 : f32
    %broadcast_in_dim3A_255 = vector.broadcast %jit3A_254 : f32 to vector<16xf32>
    %select_n3A_256 = arith.select %ge3A_40, %get3A_253, %broadcast_in_dim3A_255 : vector<16xi1>, vector<16xf32>
    %max3A_257 = arith.maximumf %get3A_251, %select_n3A_256 : vector<16xf32>
    %gt3A_258 = arith.constant 0.000000e+00 : f32
    %gt3A_259 = vector.broadcast %gt3A_258 : f32 to vector<16xf32>
    %gt3A_260 = arith.cmpf ogt, %max3A_257, %gt3A_259 : vector<16xf32>
    %all_reduce_population_count3A_261 = tpu.all_reduce %gt3A_260 {dim = 0 : i64, kind = #tpu.reduction_kind<sum>} : vector<16xi1> -> vector<16xi32>
    %slice3A_262 = vector.extract_strided_slice %all_reduce_population_count3A_261 {offsets = [0], sizes = [1], strides = [1]} : vector<16xi32> to vector<1xi32>
    %squeeze3A_263 = vector.extract %slice3A_262[0] : i32 from vector<1xi32>
    %gt3A_264 = arith.constant 0 : i32
    %gt3A_265 = arith.cmpi sgt, %squeeze3A_263, %gt3A_264 : i32
    %get3A_266 = arith.constant 120 : index
    %get3A_267 = tpu.vector_load %arg5[%get3A_266] {strides = array<i32>} : memref<9616xf32, #tpu.memory_space<vmem>>, vector<16xf32>,
    %get3A_268 = arith.constant 124 : index
    %get3A_269 = tpu.vector_load %arg5[%get3A_268] {strides = array<i32>} : memref<9616xf32, #tpu.memory_space<vmem>>, vector<16xf32>,
    %jit3A_270 = arith.constant 0xFF800000 : f32
    %broadcast_in_dim3A_271 = vector.broadcast %jit3A_270 : f32 to vector<16xf32>
    %select_n3A_272 = arith.select %ge3A_40, %get3A_269, %broadcast_in_dim3A_271 : vector<16xi1>, vector<16xf32>
    %max3A_273 = arith.maximumf %get3A_267, %select_n3A_272 : vector<16xf32>
    %eq3A_274 = arith.constant 0 : i32
    %eq3A_275 = arith.cmpi eq, %select_n3A_249, %eq3A_274 : i32
    %and3A_276 = arith.andi %gt3A_265, %eq3A_275 : i1
    %broadcast_in_dim3A_277 = vector.broadcast %and3A_276 : i1 to vector<16xi1>
    %select_n3A_278 = arith.select %broadcast_in_dim3A_277, %max3A_273, %select_n3A_243 : vector<16xi1>, vector<16xf32>
    %slice3A_279 = vector.extract_strided_slice %get3A_1 {offsets = [6], sizes = [1], strides = [1]} : vector<16xf32> to vector<1xf32>
    %squeeze3A_280 = vector.extract %slice3A_279[0] : f32 from vector<1xf32>
    %max3A_281 = arith.maximumf %select_n3A_247, %squeeze3A_280 : f32
    %select_n3A_282 = arith.select %gt3A_265, %select_n3A_247, %max3A_281 : f32
    %jit3A_283 = arith.constant 1 : i32
    %select_n3A_284 = arith.select %gt3A_265, %jit3A_283, %select_n3A_249 : i32
    %get3A_285 = arith.constant 140 : index
    %get3A_286 = tpu.vector_load %arg6[%get3A_285] {strides = array<i32>} : memref<160xf32, #tpu.memory_space<vmem>>, vector<16xf32>,
    %get3A_287 = arith.constant 144 : index
    %get3A_288 = tpu.vector_load %arg6[%get3A_287] {strides = array<i32>} : memref<160xf32, #tpu.memory_space<vmem>>, vector<16xf32>,
    %jit3A_289 = arith.constant 0.000000e+00 : f32
    %broadcast_in_dim3A_290 = vector.broadcast %jit3A_289 : f32 to vector<16xf32>
    %select_n3A_291 = arith.select %ge3A_40, %get3A_288, %broadcast_in_dim3A_290 : vector<16xi1>, vector<16xf32>
    %max3A_292 = arith.maximumf %get3A_286, %select_n3A_291 : vector<16xf32>
    %gt3A_293 = arith.constant 0.000000e+00 : f32
    %gt3A_294 = vector.broadcast %gt3A_293 : f32 to vector<16xf32>
    %gt3A_295 = arith.cmpf ogt, %max3A_292, %gt3A_294 : vector<16xf32>
    %all_reduce_population_count3A_296 = tpu.all_reduce %gt3A_295 {dim = 0 : i64, kind = #tpu.reduction_kind<sum>} : vector<16xi1> -> vector<16xi32>
    %slice3A_297 = vector.extract_strided_slice %all_reduce_population_count3A_296 {offsets = [0], sizes = [1], strides = [1]} : vector<16xi32> to vector<1xi32>
    %squeeze3A_298 = vector.extract %slice3A_297[0] : i32 from vector<1xi32>
    %gt3A_299 = arith.constant 0 : i32
    %gt3A_300 = arith.cmpi sgt, %squeeze3A_298, %gt3A_299 : i32
    %get3A_301 = arith.constant 140 : index
    %get3A_302 = tpu.vector_load %arg5[%get3A_301] {strides = array<i32>} : memref<9616xf32, #tpu.memory_space<vmem>>, vector<16xf32>,
    %get3A_303 = arith.constant 144 : index
    %get3A_304 = tpu.vector_load %arg5[%get3A_303] {strides = array<i32>} : memref<9616xf32, #tpu.memory_space<vmem>>, vector<16xf32>,
    %jit3A_305 = arith.constant 0xFF800000 : f32
    %broadcast_in_dim3A_306 = vector.broadcast %jit3A_305 : f32 to vector<16xf32>
    %select_n3A_307 = arith.select %ge3A_40, %get3A_304, %broadcast_in_dim3A_306 : vector<16xi1>, vector<16xf32>
    %max3A_308 = arith.maximumf %get3A_302, %select_n3A_307 : vector<16xf32>
    %eq3A_309 = arith.constant 0 : i32
    %eq3A_310 = arith.cmpi eq, %select_n3A_284, %eq3A_309 : i32
    %and3A_311 = arith.andi %gt3A_300, %eq3A_310 : i1
    %broadcast_in_dim3A_312 = vector.broadcast %and3A_311 : i1 to vector<16xi1>
    %select_n3A_313 = arith.select %broadcast_in_dim3A_312, %max3A_308, %select_n3A_278 : vector<16xi1>, vector<16xf32>
    %slice3A_314 = vector.extract_strided_slice %get3A_1 {offsets = [7], sizes = [1], strides = [1]} : vector<16xf32> to vector<1xf32>
    %squeeze3A_315 = vector.extract %slice3A_314[0] : f32 from vector<1xf32>
    %max3A_316 = arith.maximumf %select_n3A_282, %squeeze3A_315 : f32
    %select_n3A_317 = arith.select %gt3A_300, %select_n3A_282, %max3A_316 : f32
    %jit3A_318 = arith.constant 1 : i32
    %select_n3A_319 = arith.select %gt3A_300, %jit3A_318, %select_n3A_284 : i32
    %reduce_max3A_320 = arith.constant true
    %reduce_max3A_321 = vector.broadcast %reduce_max3A_320 : i1 to vector<16xi1>
    %reduce_max3A_322 = tpu.scan <max>, %select_n3A_313 masked %reduce_max3A_321 : vector<16xf32>, vector<16xi1> -> vector<16xf32>
    %reduce_max3A_323 = vector.extract %reduce_max3A_322[15] : f32 from vector<16xf32>
    %broadcast_in_dim3A_324 = vector.broadcast %squeeze3A : f32 to vector<16xf32>
    %neg3A = arith.constant 0.000000e+00 : f32
    %neg3A_325 = vector.broadcast %neg3A : f32 to vector<16xf32>
    %neg3A_326 = arith.subf %neg3A_325, %broadcast_in_dim3A_324 : vector<16xf32>
    %exp3A = math.exp %neg3A_326 : vector<16xf32>
    %add3A_327 = arith.constant 1.000000e+00 : f32
    %add3A_328 = vector.broadcast %add3A_327 : f32 to vector<16xf32>
    %add3A_329 = arith.addf %add3A_328, %exp3A : vector<16xf32>
    %div3A = arith.constant 1.000000e+00 : f32
    %div3A_330 = vector.broadcast %div3A : f32 to vector<16xf32>
    %div3A_331 = arith.divf %div3A_330, %add3A_329 : vector<16xf32>
    %max3A_332 = arith.constant 5.000000e-01 : f32
    %max3A_333 = vector.broadcast %max3A_332 : f32 to vector<16xf32>
    %max3A_334 = arith.maximumf %div3A_331, %max3A_333 : vector<16xf32>
    %broadcast_in_dim3A_335 = vector.broadcast %reduce_max3A_38 : f32 to vector<16xf32>
    %neg3A_336 = arith.constant 0.000000e+00 : f32
    %neg3A_337 = vector.broadcast %neg3A_336 : f32 to vector<16xf32>
    %neg3A_338 = arith.subf %neg3A_337, %broadcast_in_dim3A_335 : vector<16xf32>
    %exp3A_339 = math.exp %neg3A_338 : vector<16xf32>
    %add3A_340 = arith.constant 1.000000e+00 : f32
    %add3A_341 = vector.broadcast %add3A_340 : f32 to vector<16xf32>
    %add3A_342 = arith.addf %add3A_341, %exp3A_339 : vector<16xf32>
    %div3A_343 = arith.constant 1.000000e+00 : f32
    %div3A_344 = vector.broadcast %div3A_343 : f32 to vector<16xf32>
    %div3A_345 = arith.divf %div3A_344, %add3A_342 : vector<16xf32>
    %sub3A = arith.subf %div3A_345, %max3A_334 : vector<16xf32>
    %add3A_346 = arith.constant 1.000000e-01 : f32
    %add3A_347 = vector.broadcast %add3A_346 : f32 to vector<16xf32>
    %add3A_348 = arith.addf %sub3A, %add3A_347 : vector<16xf32>
    %mul3A_349 = arith.constant -5.000000e+00 : f32
    %mul3A_350 = vector.broadcast %mul3A_349 : f32 to vector<16xf32>
    %mul3A_351 = arith.mulf %mul3A_350, %add3A_348 : vector<16xf32>
    %exp3A_352 = math.exp %mul3A_351 : vector<16xf32>
    %add3A_353 = arith.constant 1.000000e+00 : f32
    %add3A_354 = vector.broadcast %add3A_353 : f32 to vector<16xf32>
    %add3A_355 = arith.addf %add3A_354, %exp3A_352 : vector<16xf32>
    %div3A_356 = arith.constant 1.000000e+00 : f32
    %div3A_357 = vector.broadcast %div3A_356 : f32 to vector<16xf32>
    %div3A_358 = arith.divf %div3A_357, %add3A_355 : vector<16xf32>
    %gt3A_359 = arith.constant 0.000000e+00 : f32
    %gt3A_360 = vector.broadcast %gt3A_359 : f32 to vector<16xf32>
    %gt3A_361 = arith.cmpf ogt, %add3A_348, %gt3A_360 : vector<16xf32>
    %mul3A_362 = arith.constant 2.000000e+00 : f32
    %mul3A_363 = vector.broadcast %mul3A_362 : f32 to vector<16xf32>
    %mul3A_364 = arith.mulf %mul3A_363, %div3A_358 : vector<16xf32>
    %select_n3A_365 = arith.select %gt3A_361, %mul3A_364, %div3A_358 : vector<16xi1>, vector<16xf32>
    %broadcast_in_dim3A_366 = vector.broadcast %select_n3A_317 : f32 to vector<16xf32>
    %neg3A_367 = arith.constant 0.000000e+00 : f32
    %neg3A_368 = vector.broadcast %neg3A_367 : f32 to vector<16xf32>
    %neg3A_369 = arith.subf %neg3A_368, %broadcast_in_dim3A_366 : vector<16xf32>
    %exp3A_370 = math.exp %neg3A_369 : vector<16xf32>
    %add3A_371 = arith.constant 1.000000e+00 : f32
    %add3A_372 = vector.broadcast %add3A_371 : f32 to vector<16xf32>
    %add3A_373 = arith.addf %add3A_372, %exp3A_370 : vector<16xf32>
    %div3A_374 = arith.constant 1.000000e+00 : f32
    %div3A_375 = vector.broadcast %div3A_374 : f32 to vector<16xf32>
    %div3A_376 = arith.divf %div3A_375, %add3A_373 : vector<16xf32>
    %max3A_377 = arith.maximumf %div3A_376, %max3A_334 : vector<16xf32>
    %broadcast_in_dim3A_378 = vector.broadcast %reduce_max3A_323 : f32 to vector<16xf32>
    %neg3A_379 = arith.constant 0.000000e+00 : f32
    %neg3A_380 = vector.broadcast %neg3A_379 : f32 to vector<16xf32>
    %neg3A_381 = arith.subf %neg3A_380, %broadcast_in_dim3A_378 : vector<16xf32>
    %exp3A_382 = math.exp %neg3A_381 : vector<16xf32>
    %add3A_383 = arith.constant 1.000000e+00 : f32
    %add3A_384 = vector.broadcast %add3A_383 : f32 to vector<16xf32>
    %add3A_385 = arith.addf %add3A_384, %exp3A_382 : vector<16xf32>
    %div3A_386 = arith.constant 1.000000e+00 : f32
    %div3A_387 = vector.broadcast %div3A_386 : f32 to vector<16xf32>
    %div3A_388 = arith.divf %div3A_387, %add3A_385 : vector<16xf32>
    %sub3A_389 = arith.subf %max3A_377, %div3A_388 : vector<16xf32>
    %add3A_390 = arith.constant 1.000000e-01 : f32
    %add3A_391 = vector.broadcast %add3A_390 : f32 to vector<16xf32>
    %add3A_392 = arith.addf %sub3A_389, %add3A_391 : vector<16xf32>
    %mul3A_393 = arith.constant -5.000000e+00 : f32
    %mul3A_394 = vector.broadcast %mul3A_393 : f32 to vector<16xf32>
    %mul3A_395 = arith.mulf %mul3A_394, %add3A_392 : vector<16xf32>
    %exp3A_396 = math.exp %mul3A_395 : vector<16xf32>
    %add3A_397 = arith.constant 1.000000e+00 : f32
    %add3A_398 = vector.broadcast %add3A_397 : f32 to vector<16xf32>
    %add3A_399 = arith.addf %add3A_398, %exp3A_396 : vector<16xf32>
    %div3A_400 = arith.constant 1.000000e+00 : f32
    %div3A_401 = vector.broadcast %div3A_400 : f32 to vector<16xf32>
    %div3A_402 = arith.divf %div3A_401, %add3A_399 : vector<16xf32>
    %gt3A_403 = arith.constant 0.000000e+00 : f32
    %gt3A_404 = vector.broadcast %gt3A_403 : f32 to vector<16xf32>
    %gt3A_405 = arith.cmpf ogt, %add3A_392, %gt3A_404 : vector<16xf32>
    %mul3A_406 = arith.constant 2.000000e+00 : f32
    %mul3A_407 = vector.broadcast %mul3A_406 : f32 to vector<16xf32>
    %mul3A_408 = arith.mulf %mul3A_407, %div3A_402 : vector<16xf32>
    %select_n3A_409 = arith.select %gt3A_405, %mul3A_408, %div3A_402 : vector<16xi1>, vector<16xf32>
    %broadcast_in_dim3A_410 = vector.broadcast %select_n3A_319 : i32 to vector<16xi32>
    %eq3A_411 = arith.constant 0 : i32
    %eq3A_412 = vector.broadcast %eq3A_411 : i32 to vector<16xi32>
    %eq3A_413 = arith.cmpi eq, %broadcast_in_dim3A_410, %eq3A_412 : vector<16xi32>
    %select_n3A_414 = arith.select %eq3A_413, %select_n3A_365, %select_n3A_409 : vector<16xi1>, vector<16xf32>
    %swap3A = arith.constant 0 : index
    %swap3A_415 = tpu.vector_load %arg7[%swap3A] {strides = array<i32>} : memref<16xf32, #tpu.memory_space<vmem>>, vector<16xf32>,
    tpu.vector_store %arg7[%swap3A], %select_n3A_414 {strides = array<i32>} : memref<16xf32, #tpu.memory_space<vmem>>, vector<16xf32>,
    %eq3A_416 = arith.constant 0 : i32
    %eq3A_417 = arith.cmpi eq, %arg1, %eq3A_416 : i32
    %convert_element_type3A = arith.extui %eq3A_417 : i1 to i32
    %cond3A = arith.constant 0 : i32
    %cond3A_418 = arith.cmpi ne, %convert_element_type3A, %cond3A : i32
    scf.if %cond3A_418 {
      %broadcast_in_dim3A_425 = arith.constant 0.000000e+00 : f32
      %broadcast_in_dim3A_426 = vector.broadcast %broadcast_in_dim3A_425 : f32 to vector<16xf32>
      %swap3A_427 = arith.constant 0 : index
      %swap3A_428 = tpu.vector_load %arg8[%swap3A_427] {strides = array<i32>} : memref<16xf32, #tpu.memory_space<vmem>>, vector<16xf32>,
      tpu.vector_store %arg8[%swap3A_427], %broadcast_in_dim3A_426 {strides = array<i32>} : memref<16xf32, #tpu.memory_space<vmem>>, vector<16xf32>,
      "tpu.region"() ({
        %run_scoped3A = tpu.sem_alloc : memref<!tpu.dma_semaphore, #tpu.memory_space<semaphore_mem>>
        tpu.enqueue_dma source(%arg8 : memref<16xf32, #tpu.memory_space<vmem>>) target(%arg9 : memref<16xf32, #tpu.memory_space<vmem_shared>>) target_semaphore(%run_scoped3A : memref<!tpu.dma_semaphore, #tpu.memory_space<semaphore_mem>>)
        tpu.wait_dma2 semaphore(%run_scoped3A : memref<!tpu.dma_semaphore, #tpu.memory_space<semaphore_mem>>) src(%arg8 : memref<16xf32, #tpu.memory_space<vmem>>) dst(%arg9 : memref<16xf32, #tpu.memory_space<vmem_shared>>)
        tpu.yield
      }) : () -> ()
    } else {
    }
    %barrier3A = arith.constant 0 : index
    tpu.barrier barrier_id(%barrier3A)
    "tpu.region"() ({
      %run_scoped3A = tpu.sem_alloc : memref<!tpu.dma_semaphore, #tpu.memory_space<semaphore_mem>>
      %dma_start3A = arith.constant 0 : i32
      %dma_start3A_425 = tpu.memref_slice %arg9[%dma_start3A] : memref<16xf32, #tpu.memory_space<vmem_shared>> -> memref<16xf32, #tpu.memory_space<vmem_shared>>
      tpu.enqueue_indirect_dma source(%arg7 : memref<16xf32, #tpu.memory_space<vmem>>) target(%dma_start3A_425 : memref<16xf32, #tpu.memory_space<vmem_shared>>) offsets(%iota3A : vector<16xi32>) semaphore(%run_scoped3A : memref<!tpu.dma_semaphore, #tpu.memory_space<semaphore_mem>>) {add = true}
      %dma_wait3A = arith.constant 0 : i32
      %dma_wait3A_426 = tpu.memref_slice %arg9[%dma_wait3A] : memref<16xf32, #tpu.memory_space<vmem_shared>> -> memref<16xf32, #tpu.memory_space<vmem_shared>>
      tpu.wait_indirect_dma semaphore(%run_scoped3A : memref<!tpu.dma_semaphore, #tpu.memory_space<semaphore_mem>>) src(%arg7 : memref<16xf32, #tpu.memory_space<vmem>>) dst(%dma_wait3A_426 : memref<16xf32, #tpu.memory_space<vmem_shared>>)
      tpu.yield
    }) : () -> ()
    %barrier3A_419 = arith.constant 0 : index
    tpu.barrier barrier_id(%barrier3A_419)
    %eq3A_420 = arith.constant 0 : i32
    %eq3A_421 = arith.cmpi eq, %arg1, %eq3A_420 : i32
    %convert_element_type3A_422 = arith.extui %eq3A_421 : i1 to i32
    %cond3A_423 = arith.constant 0 : i32
    %cond3A_424 = arith.cmpi ne, %convert_element_type3A_422, %cond3A_423 : i32
    scf.if %cond3A_424 {
      "tpu.region"() ({
        %run_scoped3A = tpu.sem_alloc : memref<!tpu.dma_semaphore, #tpu.memory_space<semaphore_mem>>
        tpu.enqueue_dma source(%arg9 : memref<16xf32, #tpu.memory_space<vmem_shared>>) target(%arg8 : memref<16xf32, #tpu.memory_space<vmem>>) target_semaphore(%run_scoped3A : memref<!tpu.dma_semaphore, #tpu.memory_space<semaphore_mem>>)
        tpu.wait_dma2 semaphore(%run_scoped3A : memref<!tpu.dma_semaphore, #tpu.memory_space<semaphore_mem>>) src(%arg9 : memref<16xf32, #tpu.memory_space<vmem_shared>>) dst(%arg8 : memref<16xf32, #tpu.memory_space<vmem>>)
        tpu.yield
      }) : () -> ()
      "tpu.region"() ({
        %run_scoped3A = tpu.sem_alloc : memref<!tpu.dma_semaphore, #tpu.memory_space<semaphore_mem>>
        %dma_start3A = arith.constant 0 : i32
        %dma_start3A_425 = tpu.memref_slice %arg4[%arg0, %dma_start3A] : memref<2x16xf32, #tpu.memory_space<hbm>> -> memref<1x16xf32, #tpu.memory_space<hbm>>
        %dma_start3A_426 = tpu.memref_squeeze %dma_start3A_425 : memref<1x16xf32, #tpu.memory_space<hbm>> -> memref<16xf32, #tpu.memory_space<hbm>>
        %dma_start3A_427 = arith.constant 0 : i32
        %dma_start3A_428 = tpu.memref_slice %arg4[%arg0, %dma_start3A_427] : memref<2x16xf32, #tpu.memory_space<hbm>> -> memref<1x16xf32, #tpu.memory_space<hbm>>
        %dma_start3A_429 = tpu.memref_squeeze %dma_start3A_428 : memref<1x16xf32, #tpu.memory_space<hbm>> -> memref<16xf32, #tpu.memory_space<hbm>>
        tpu.enqueue_dma source(%arg8 : memref<16xf32, #tpu.memory_space<vmem>>) target(%dma_start3A_429 : memref<16xf32, #tpu.memory_space<hbm>>) target_semaphore(%run_scoped3A : memref<!tpu.dma_semaphore, #tpu.memory_space<semaphore_mem>>)
        %dma_wait3A = arith.constant 0 : i32
        %dma_wait3A_430 = tpu.memref_slice %arg4[%arg0, %dma_wait3A] : memref<2x16xf32, #tpu.memory_space<hbm>> -> memref<1x16xf32, #tpu.memory_space<hbm>>
        %dma_wait3A_431 = tpu.memref_squeeze %dma_wait3A_430 : memref<1x16xf32, #tpu.memory_space<hbm>> -> memref<16xf32, #tpu.memory_space<hbm>>
        %dma_wait3A_432 = arith.constant 0 : i32
        %dma_wait3A_433 = tpu.memref_slice %arg4[%arg0, %dma_wait3A_432] : memref<2x16xf32, #tpu.memory_space<hbm>> -> memref<1x16xf32, #tpu.memory_space<hbm>>
        %dma_wait3A_434 = tpu.memref_squeeze %dma_wait3A_433 : memref<1x16xf32, #tpu.memory_space<hbm>> -> memref<16xf32, #tpu.memory_space<hbm>>
        tpu.wait_dma2 semaphore(%run_scoped3A : memref<!tpu.dma_semaphore, #tpu.memory_space<semaphore_mem>>) src(%arg8 : memref<16xf32, #tpu.memory_space<vmem>>) dst(%dma_wait3A_434 : memref<16xf32, #tpu.memory_space<hbm>>)
        tpu.yield
      }) : () -> ()
    } else {
    }
    return
  }
}

</mosaic_0001>

<sc_bundles>
// kernel: kernel.3.cloned.1.call-start
scs
__scs_entry_jumppad:
0x0: {  	(pc) =	sbr.rel $0x88, $3  }
0x1: {  	(tag) =	ssettag $0x0;
	lr =	simm.s32 $0x1  }
0x2: {  	[smem:$0x3F9F] =	sst lr;
	_ =	strace $0xD0000000  }
0x3: {  	_ = 	snop  }
0x4: {  	_ = 	snop  }
0x5: {  	_ = 	snop  }
0x6: {  	_ = 	snop  }
0x7: {  	_ = 	snop  }
__scs_overlays_trampoline_lowered:
0x8: {  	[smem:$0x3FAE] =	sst s0  }
0x9: {  	[smem:$0x3FAF] =	sst s1  }
0xa: {  	[smem:$0x3FB0] =	sst s2  }
0xb: {  	[smem:$0x3FB1] =	sst s3  }
0xc: {  	[smem:$0x3FB2] =	sst s4  }
0xd: {  	[smem:$0x3FB3] =	sst s5  }
0xe: {  	[smem:$0x3FB4] =	sst s6  }
0xf: {  	[smem:$0x3FB5] =	sst s7  }
0x10: {  	[smem:$0x3FB6] =	sst s8  }
0x11: {  	[smem:$0x3FB7] =	sst s9;
	s0 =	simm.s32 @!p0 $0x0  }
0x12: {  	s1 =	sld [smem:$0x3F9D];
	s0 =	simm.s32 @p0 $0x1  }
0x13: {  	[smem:$0x3FB8] =	sst s0;
	s0 =	simm.s32 @!p1 $0x0  }
0x14: {  	s2 =	sld [smem:$0x3F9C];
	s0 =	simm.s32 @p1 $0x1  }
0x15: {  	[smem:$0x3FB9] =	sst s0;
	s0 =	simm.s32 @!p2 $0x0  }
0x16: {  	s3 =	sld [smem:$0x3FDB];
	s0 =	simm.s32 @p2 $0x1  }
0x17: {  	s4 =	simm.s32 $0x1BF5;
	[smem:$0x3FBB] =	sst s0  }
0x18: {  	s0 =	sld [smem:$0x3F9E];
	_ =	swait.ge [sflag:s4], $0x0  }
0x19: {  	s7 =	sld [smem:$0x3F9F]  }
0x1a: {  	s8 =	sadd.s32 $0xFFFFE003, lr  }
0x1b: {  	s9 =	sadd.s32 $0xFFFFFEF7, lr;
	s5 =	simm.s32 $0xFFFFFFFF;
	p2 =	slt.u32 s8, $0xFFFFF086  }
0x1c: {  	p1 =	slt.u32 s9, $0xF7A;
	s5 =	simm.s32 @!p2 $0x0  }
0x1d: {  	s5 =	simm.s32 @p1 $0x1;
	p0 =	seq.s32 s7, s2  }
0x1e: {  	s7 =	smul.u32 @!p0 $0xF7A, s2;
	p2 =	seq.s32 @!p0 s5, $0x0  }
0x1f: {  	s9 =	smul.u32 $0xF7A, s1;
	s8 =	simm.s32 @!p0 $0x1BF5;
	p2 =	por !p2, p0  }
0x20: {  	[sflag:s8] =	ssyncset.s32 @!p0 $0xFFFFF086;
	s6 =	sadd.s32 @!p0 s3, s7;
	s7 =	simm.s32 @!p0 $0x108  }
0x21: {  	s3 =	sadd.s32 s3, s9;
	s6 =	sadd.s32 @!p0 $0x88, s6;
	s7 =	simm.s32 @p2 $0x1082  }
0x22: {  	[simem:s7], [sflag:s8] =	dma.local @!p0 [hbm:s6], $0xF7A  }
0x23: {  	s9 =	sor.u32 $0xD0000000, s2;
	s6 =	simm.s32 $0x108;
	_ =	swait.ge @!p0 [sflag:s8], $0x0  }
0x24: {  	s3 =	sadd.s32 $0x88, s3;
	s6 =	simm.s32 @!p1 $0x1082;
	[sflag:s4] =	ssyncset.s32 $0xFFFFF086  }
0x25: {  	[simem:s6], [sflag:s4] =	dma.local [hbm:s3], $0xF7A  }
0x26: {  	[smem:$0x3F9F] =	sst s1;
	(tag) =	ssettag s2;
	_ =	strace s9  }
0x27: {  	s1 =	sld [smem:$0x3FAF]  }
0x28: {  	s2 =	sld [smem:$0x3FB0]  }
0x29: {  	s4 =	sld [smem:$0x3FB2]  }
0x2a: {  	p0 =	seq.s32 s5, $0x0;
	s5 =	sld [smem:$0x3FB3]  }
0x2b: {  	s6 =	sld [smem:$0x3FB4]  }
0x2c: {  	s7 =	sld [smem:$0x3FB5]  }
0x2d: {  	s3 =	simm.s32 $0x108;
	s8 =	sld [smem:$0x3FB6]  }
0x2e: {  	s3 =	simm.s32 @!p0 $0x1082;
	s9 =	sld [smem:$0x3FB7]  }
0x2f: {  	lr =	sadd.s32 s0, s3;
	s0 =	sld [smem:$0x3FAE]  }
0x30: {  	s3 =	sld [smem:$0x3FB1]  }
0x31: {  	[smem:$0x3FBA] =	sst s10  }
0x32: {  	s10 =	sld [smem:$0x3FB8];
	_ =	sdelay $0x3  }
0x33: {  	p0 =	seq.s32 s10, $0x1;
	s10 =	sld [smem:$0x3FBA];
	_ =	sdelay $0x3  }
0x34: {  	[smem:$0x3FBA] =	sst s10  }
0x35: {  	s10 =	sld [smem:$0x3FB9];
	_ =	sdelay $0x3  }
0x36: {  	p1 =	seq.s32 s10, $0x1;
	s10 =	sld [smem:$0x3FBA];
	_ =	sdelay $0x3  }
0x37: {  	[smem:$0x3FBA] =	sst s10  }
0x38: {  	s10 =	sld [smem:$0x3FBB]  }
0x39: {  	_ = 	snop;
	(pc) =	sbr.ind lr, $3  }
0x3a: {  	_ = 	snop  }
0x3b: {  	_ = 	snop  }
0x3c: {  	p2 =	seq.s32 s10, $0x1;
	s10 =	sld [smem:$0x3FBA]  }
0x3d: {  	_ =	shalt  }
0x3e: {  	_ =	shalt  }
0x3f: {  	_ =	shalt  }
0x40: {  	_ =	shalt  }
0x41: {  	_ =	shalt  }
0x42: {  	_ =	shalt  }
0x43: {  	_ =	shalt  }
0x44: {  	_ =	shalt  }
0x45: {  	_ =	shalt  }
0x46: {  	_ =	shalt  }
0x47: {  	_ =	shalt  }
0x48: {  	_ =	shalt  }
0x49: {  	_ =	shalt  }
0x4a: {  	_ =	shalt  }
0x4b: {  	_ =	shalt  }
0x4c: {  	_ =	shalt  }
0x4d: {  	_ =	shalt  }
0x4e: {  	_ =	shalt  }
0x4f: {  	_ =	shalt  }
0x50: {  	_ =	shalt  }
0x51: {  	_ =	shalt  }
0x52: {  	_ =	shalt  }
0x53: {  	_ =	shalt  }
0x54: {  	_ =	shalt  }
0x55: {  	_ =	shalt  }
0x56: {  	_ =	shalt  }
0x57: {  	_ =	shalt  }
0x58: {  	_ =	shalt  }
0x59: {  	_ =	shalt  }
0x5a: {  	_ =	shalt  }
0x5b: {  	_ =	shalt  }
0x5c: {  	_ =	shalt  }
0x5d: {  	_ =	shalt  }
0x5e: {  	_ =	shalt  }
0x5f: {  	_ =	shalt  }
0x60: {  	_ =	shalt  }
0x61: {  	_ =	shalt  }
0x62: {  	_ =	shalt  }
0x63: {  	_ =	shalt  }
0x64: {  	_ =	shalt  }
0x65: {  	_ =	shalt  }
0x66: {  	_ =	shalt  }
0x67: {  	_ =	shalt  }
0x68: {  	_ =	shalt  }
0x69: {  	_ =	shalt  }
0x6a: {  	_ =	shalt  }
0x6b: {  	_ =	shalt  }
0x6c: {  	_ =	shalt  }
0x6d: {  	_ =	shalt  }
0x6e: {  	_ =	shalt  }
0x6f: {  	_ =	shalt  }
0x70: {  	_ =	shalt  }
0x71: {  	_ =	shalt  }
0x72: {  	_ =	shalt  }
0x73: {  	_ =	shalt  }
0x74: {  	_ =	shalt  }
0x75: {  	_ =	shalt  }
0x76: {  	_ =	shalt  }
0x77: {  	_ =	shalt  }
0x78: {  	_ =	shalt  }
0x79: {  	_ =	shalt  }
0x7a: {  	_ =	shalt  }
0x7b: {  	_ =	shalt  }
0x7c: {  	_ =	shalt  }
0x7d: {  	_ =	shalt  }
0x7e: {  	_ =	shalt  }
0x7f: {  	_ =	shalt  }
0x80: {  	_ =	shalt  }
0x81: {  	_ =	shalt  }
0x82: {  	_ =	shalt  }
0x83: {  	_ =	shalt  }
0x84: {  	_ =	shalt  }
0x85: {  	_ =	shalt  }
0x86: {  	_ =	shalt  }
0x87: {  	_ =	shalt  }
.Lfunc_end0:
.L_simem_size_0:
called_computation_lowered:
.L_overlay_start_0:
0x88: {  	s2 =	sld [smem:$0x3FD9]  }
0x89: {  	s3 =	sld [smem:$0x3FFE];
	_ =	sdelay $0x1  }
0x8a: {  	s1 =	srdreg.scid  }
0x8b: {  	s0 =	sand.u32 $0x1, s1  }
0x8c: {  	s16 =	sshll.u32 s0, $0xA;
	s2 =	sadd.s32 s3, s2  }
0x8d: {  	s2 =	sadd.s32 s2, s16  }
0x8e: {  	[smem:$0x3FC6] =	sst s2  }
0x8f: {  	_ = 	snop  }
0x90: {  	(tm) =	ssettm $0x1  }
0x91: {  	s17 =	sld [smem:$0x3FFB];
	_ =	sdelay $0x3  }
0x92: {  	_ =	strace s17  }
0x93: {  	s2 =	sld [smem:$0x3FFC];
	_ =	sdelay $0x3  }
0x94: {  	_ =	strace s2  }
0x95: {  	s2 =	sld [smem:$0x3FFD];
	_ =	sdelay $0x3  }
0x96: {  	_ =	strace s2  }
0x97: {  	_ =	strace $0x8FFFFFFF  }
0x98: {  	s18 =	sld [smem:$0x3FDB];
	_ =	sdelay $0x1  }
0x99: {  	s19 =	simm.s32 $_scs_section_size  }
0x9a: {  	s4 =	simm.s32 $_size__tile_overlayer_lowered;
	s5 =	simm.s32 $_tile_overlayer_lowered  }
0x9b: {  	s22 =	simm.s32 $0x1BFF;
	s21 =	sshll.u32 s5, $0x1;
	s2 =	sadd.s32 s19, s18  }
0x9c: {  	s6 =	simm.s32 $0x0;
	s20 =	sshll.u32 s4, $0x1;
	s4 =	sadd.s32 s21, s2  }
0x9d: {  	[timem:s6], [sflag:s22] =	dma.local [hbm:s4], s20  }
0x9e: {  	_ =	swait.ge [sflag:s22], s20  }
0x9f: {  	s3 =	ssub.s32 $0x0, s20;
	[sflag:s22] =	ssyncset.done $0x0  }
0xa0: {  	[sflag:s22] =	ssyncadd.s32 s3;
	_ =	sdelay $0x1  }
0xa1: {  	s23 =	simm.s32 $0x1B8B  }
0xa2: {  	_ =	swait.ge [sflag:s23], $0x1  }
0xa3: {  	[sflag:s23] =	ssyncset.done $0x0  }
0xa4: {  	s25 =	simm.s32 $0x1B8E;
	s24 =	sld [smem:$0x3FFE];
	[sflag:s23] =	ssyncadd.s32 $0xFFFFFFFF  }
0xa5: {  	s26 =	simm.s32 $execute0_lowered;
	[smem:$0x3FD2] =	sst s25  }
0xa6: {  	s4 =	sshll.u32 s26, $0x1;
	_ =	strace $0x80000046;
	[dreg:$0x1] =	wrdreg $0xFFFFFFFF  }
0xa7: {  	s28 =	simm.s32 $_size_execute0_lowered;
	s2 =	sadd.s32 s2, s4;
	[dreg:$0x0] =	wrdreg $0x0  }
0xa8: {  	s4 =	sshll.u32 s28, $0x1;
	[dreg:$0x2] =	wrdreg s2  }
0xa9: {  	[dreg:$0x3] =	wrdreg s4  }
0xaa: {  	[dreg:$0x4] =	wrdreg $0xC0  }
0xab: {  	_ =	task [dreg:s6], $0x5FFFF  }
0xac: {  	[dreg:$0x1] =	wrdreg $0xFFFFFFFF  }
0xad: {  	[dreg:$0x0] =	wrdreg $0x60  }
0xae: {  	[dreg:$0x2] =	wrdreg s24  }
0xaf: {  	[dreg:$0x3] =	wrdreg $0x28000  }
0xb0: {  	[dreg:$0x4] =	wrdreg $0x9  }
0xb1: {  	_ =	task.clear_ibuf [dreg:s6], $0x5FFFF;
	_ =	strace $0x90000046  }
0xb2: {  	s29 =	simm.s32 $0x9;
	_ =	strace $0x80000048  }
0xb3: {  	_ =	swait.ge [sflag:s29], $0x1  }
0xb4: {  	[sflag:s29] =	ssyncadd.s32 $0xFFFFFFFF  }
0xb5: {  	_ =	strace $0x90000048  }
0xb6: {  	_ =	sfence  }
0xb7: {  	s30 =	sld [smem:$0x0];
	_ =	sdelay $0x2  }
0xb8: {  	s31 =	sshll.u32 s1, $0xD;
	s1 =	sshrl.u32 s1, $0x2  }
0xb9: {  	s3 =	sand.u32 $0x4000, s31;
	s1 =	sadd.s32 s1, s30  }
0xba: {  	s0 =	sor.u32 s3, s0;
	s1 =	sshll.u32 s1, $0x11  }
0xbb: {  	s0 =	sor.u32 s1, s0  }
0xbc: {  	s0 =	sadd.s32 $0x8F2B, s0  }
0xbd: {  	[sflag:s0] =	ssyncadd.remote.s32 $0x1  }
0xbe: {  	_ =	sfence.sel $0xFFFF  }
0xbf: {  	[dreg:$0x0] =	wrdreg $0xFFFFFFFF;
	(pc) =	sbr.abs _section_cstart, $3  }
0xc0: {  	[dreg:$0x1] =	wrdreg $0xFFFFFFFF  }
0xc1: {  	_ =	task.clear_ibuf [dreg:s6], $0x2FFFF;
	_ =	strace $0x9FFFFFFF  }
0xc2: {  	(tm) =	ssettm $0x7FFFFFFF  }
0xc3: {  	_ =	shalt  }
tec
execute0_lowered:
.L_overlay_start_1:
0x0: {  	(tag) =	ssettag $0x1  }
0x1: {  	s0 =	srdreg.scid  }
0x2: {  	s4 =	rddreg [dreg:$0x0];
	s9 =	stileid.u32  }
0x3: {  	s1 =	rddreg [dreg:$0x1];
	s10 =	simm.s32 $0x2600;
	s11 =	simm.s32 $0x0  }
0x4: {  	s3 =	sand.u32 $0x1, s0;
	s0 =	rddreg [dreg:$0x2];
	s8 =	sshll.u32 s9, $0x7  }
0x5: {  	p0 =	sne.s32 s9, $0x0;
	s5 =	sshll.u32 s3, $0x4;
	s3 =	ssub.s32 $0x2, s3  }
0x6: {  	s8 =	sand.u32 $0x380, s8;
	s2 =	sor.u32 s9, s5;
	s31 =	sshrl.u32 s3, $0x1  }
0x7: {  	s5 =	sadd.s32 s5, s4;
	s9 =	simm.s32 $0x1;
	s6 =	sshrl.u32 s2, $0x3  }
0x8: {  	s2 =	simm.s32 $0x0;
	s7 =	smul.u32 $0x13000, s6;
	s6 =	sshll.u32 s6, $0xB  }
0x9: {  	s5 =	sadd.s32 $0xA200, s5;
	[smem:$0x7FF] =	sst s2;
	s6 =	sor.u32 s8, s6  }
0xa: {  	_ =	strace $0x80000047;
	s7 =	sor.u32 s8, s7;
	s6 =	sshrl.u32 s6, $0x3  }
0xb: {  	s8 =	ssub.s32 s3, s31;
	s7 =	sshrl.u32 s7, $0x3;
	s6 =	sadd.s32 s6, s4  }
0xc: {  	s7 =	sadd.s32 s7, s4;
	s4 =	sadd.s32 $0x600, s6;
	s6 =	smax.u32 s8, $0x1  }
0xd: {  	vm0 =	vmmov $0xf;
	vm1 =	vmmov @p0 $0xffff;
	vm2 =	vmmov @!p0 $0xffff;
	s8 =	simm.s32 $0x400;
	s3 =	sadd.s32 $0xA00, s7;
	s7 =	simm.s32 $0x80  }
.LBB2_1:
0xe: {  	[tilespmem:s2], [sflag:$0x1] =	stream.strided.gather [hbm4b:s3+s7], $0x2600, s8, s7, $0x38;
	[tilespmem:$0x2808] =	vst v63  }
0xf: {  	_ =	swait.ge [sflag:s9], $0x2600  }
0x10: {  	[sflag:s9] =	ssyncset.done $0x0  }
0x11: {  	[sflag:s9] =	ssyncadd.s32 $0xFFFFDA00  }
0x12: {  	[tilespmem:s10], [sflag:$0x1] =	stream.strided.gather [hbm4b:s4+s7], $0x100, s8, s7, $0x38;
	[tilespmem:$0x2808] =	vst v63  }
0x13: {  	_ =	swait.ge [sflag:s9], $0x100  }
0x14: {  	[sflag:s9] =	ssyncset.done $0x0  }
0x15: {  	[sflag:s9] =	ssyncadd.s32 $0xFFFFFF00  }
0x16: {  	s12 =	simm.s32 $0x10;
	v0 =	vld [tilespmem:$0x0]  }
0x17: {  	v1 =	vld [tilespmem:s12+$0x0];
	_ =	sdelay $0x3  }
0x18: {  	(xrf1) =	vsort.ascd.msk.f32 $0xffff, v0, v0  }
0x19: {  	(xrf1) =	vsort.dscd.msk.f32 $0xffff, v1, v1;
	_ =	sdelay $0x8  }
0x1a: {  	s30 =	simm.s32 $0x20  }
0x1b: {  	v1 =	vld [tilespmem:s30+$0x0];
	_ =	sdelay $0x2  }
0x1c: {  	v2, _, _ =	vpop (xrf1)  }
0x1d: {  	v3, _, _ =	vpop (xrf1)  }
0x1e: {  	(xrf1) =	vsort.dscd.msk.f32 $0xffff, v1, v1;
	v1 =	vmax.f32 v2, v3  }
0x1f: {  	(xrf1) =	vsort.ascd.msk.f32 $0xffff, v1, v1;
	_ =	sdelay $0x8  }
0x20: {  	s31 =	simm.s32 $0x30  }
0x21: {  	s12 =	simm.s32 $0x100;
	v1 =	vld [tilespmem:s31+$0x0]  }
.LBB2_2:
0x22: {  	p1 =	sne.s32 s12, $0x9600;
	_ =	sdelay $0x1  }
0x23: {  	v2, _, _ =	vpop (xrf1)  }
0x24: {  	v3, _, _ =	vpop (xrf1)  }
0x25: {  	(xrf1) =	vsort.dscd.msk.f32 $0xffff, v1, v1;
	v1 =	vmax.f32 v3, v2  }
0x26: {  	(xrf1) =	vsort.ascd.msk.f32 $0xffff, v1, v1;
	_ =	sdelay $0x5  }
.Ltmp0:
0x27: {  	(pc) =	sbr.rel @p1 .LBB2_2-.Ltmp0, $3  }
0x28: {  	_ =	sdelay $0x1  }
0x29: {  	s13 =	sshra.s32 s12, $0x2  }
0x2a: {  	s12 =	sadd.s32 $0x40, s12;
	v1 =	vld [tilespmem:s13+$0x0]  }
0x2b: {  	_ =	sdelay $0x1  }
0x2c: {  	v2, _, _ =	vpop (xrf1)  }
0x2d: {  	v3, _, _ =	vpop (xrf1)  }
0x2e: {  	(xrf1) =	vsort.dscd.msk.f32 $0xffff, v1, v1;
	v43 =	vmax.f32 v3, v2  }
0x2f: {  	(xrf1) =	vsort.ascd.msk.f32 $0xffff, v43, v43;
	_ =	sdelay $0xc  }
0x30: {  	v44, _, _ =	vpop (xrf1)  }
0x31: {  	v45, _, _ =	vpop (xrf1)  }
0x32: {  	v1 =	vmax.f32 v45, v44  }
0x33: {  	(xrf1) =	vsort.ascd.msk.f32 $0xffff, v1, v1;
	_ =	sdelay $0x6  }
0x34: {  	v46 =	vld [tilespmem:$0x10]  }
0x35: {  	v4 =	vld [tilespmem:$0x20]  }
0x36: {  	v5 =	vld [tilespmem:$0x30]  }
0x37: {  	v47 =	vld [tilespmem:$0x40]  }
0x38: {  	v2 =	vld [tilespmem:$0x50]  }
0x39: {  	v6 =	vld [tilespmem:$0x60];
	v1 =	vmax.f32 v0, v46  }
0x3a: {  	v48 =	vld [tilespmem:$0x70];
	v1 =	vmax.f32 v1, v4  }
0x3b: {  	v49 =	vld [tilespmem:$0x80];
	v1 =	vmax.f32 v1, v5;
	v7, _, _ =	vpop (xrf1)  }
0x3c: {  	v8 =	vmax.f32 v1, v47;
	v1 =	vld [tilespmem:$0x90];
	v7 =	vsub.f32 $0.0e+00, v7  }
0x3d: {  	v8 =	vmax.f32 v8, v2  }
0x3e: {  	v6 =	vmax.f32 v8, v6;
	v7 =	vmul.f32 $1.442695020e+00, v7  }
0x3f: {  	v4 =	vmax.f32 v6, v48  }
0x40: {  	v4 =	vmax.f32 v4, v49;
	v50 =	vbroadcast v7, $0x0  }
0x41: {  	v4 =	vmax.f32 v4, v1  }
0x42: {  	(xrf0) =	vmax.scan.msk.f32 $0xffff, v4;
	(erf) = vpow2.f32 v50;
	_ =	sdelay $0x3  }
0x43: {  	v51 =	vld [tilespmem:$0x2604]  }
0x44: {  	v52 =	vld [tilespmem:$0x2600]  }
0x45: {  	v54 =	vld [tilespmem:$0x2618];
	v53, _, _ =	vpop (xrf0)  }
0x46: {  	v55 =	vld [tilespmem:$0x2614];
	v6 =	vsub.f32 $0.0e+00, v53  }
0x47: {  	v9 =	vld [tilespmem:$0x262C]  }
0x48: {  	v56 =	vld [tilespmem:$0x2640];
	v6 =	vmul.f32 $1.442695020e+00, v6;
	v11 =	vpop (erf)  }
0x49: {  	v60 =	vld [tilespmem:$0x2654];
	v11 =	vadd.f32 $1.000000000e+00, v11  }
0x4a: {  	v10 =	vld [tilespmem:$0x2628];
	v4 =	vsel vm0, $0x0, v51;
	v6 =	vbroadcast v6, $0xF  }
0x4b: {  	v18 =	vld [tilespmem:$0x267C];
	v4 =	vmax.f32 v52, v4;
	(erf) = vrcp.f32 v11  }
0x4c: {  	v58 =	vld [tilespmem:$0x263C];
	v57 =	vsel vm0, $0x0, v54;
	vm3 =	vgt.f32 v4, $0.0e+00;
	(erf) = vpow2.f32 v6  }
0x4d: {  	v21 =	vld [tilespmem:$0x2690];
	v61 =	vsel vm0, $0x0, v9;
	v4 =	vmax.f32 v55, v57;
	v59 =	vmpcnt.ones.xlane vm3  }
0x4e: {  	v62 =	vld [tilespmem:$0x2650];
	v12 =	vsel vm0, $0x0, v56;
	v15 =	vsel vm0, $0x0, v60;
	vm3 =	vgt.f32 v4, $0.0e+00  }
0x4f: {  	v14 =	vld [tilespmem:$0x2668];
	v4 =	vmax.f32 v10, v61;
	v63 =	vmpcnt.ones.xlane vm3;
	(v2sf) =	vpush v59, $0x0  }
0x50: {  	v16 =	vld [tilespmem:$0x2664];
	v26 =	vsel vm0, $0x0, v18;
	vm3 =	vgt.f32 v4, $0.0e+00;
	(v2sf) =	vpush v0, $0x0  }
0x51: {  	v4 =	vmax.f32 v58, v12;
	v13 =	vmpcnt.ones.xlane vm3;
	(v2sf) =	vpush v63, $0x0  }
0x52: {  	v19 =	vld [tilespmem:$0x2678];
	v29 =	vsel vm0, $0x0, v21;
	vm3 =	vgt.f32 v4, $0.0e+00;
	(v2sf) =	vpush v0, $0x1  }
0x53: {  	v4 =	vmax.f32 v62, v15;
	v17 =	vmpcnt.ones.xlane vm3;
	(v2sf) =	vpush v13, $0x0  }
0x54: {  	v22 =	vld [tilespmem:$0x268C];
	vm3 =	vgt.f32 v4, $0.0e+00;
	(v2sf) =	vpush v0, $0x2;
	v7 =	vsel vm0, $0x0, v14;
	v23 =	vpop (erf)  }
0x55: {  	v20 =	vmpcnt.ones.xlane vm3;
	(v2sf) =	vpush v17, $0x0;
	v24 =	vmax.f32 v16, v7;
	v25 =	vpop (erf)  }
0x56: {  	(v2sf) =	vpush v0, $0x3;
	vm3 =	vgt.f32 v24, $0.0e+00;
	v27 =	vadd.f32 $1.000000000e+00, v25  }
0x57: {  	v4 =	vmax.f32 v19, v26;
	(v2sf) =	vpush v20, $0x0;
	v28 =	vmpcnt.ones.xlane vm3  }
0x58: {  	vm3 =	vgt.f32 v4, $0.0e+00;
	(v2sf) =	vpush v0, $0x4;
	(erf) = vrcp.f32 v27  }
0x59: {  	v4 =	vmax.f32 v22, v29;
	v30 =	vmpcnt.ones.xlane vm3;
	(v2sf) =	vpush v28, $0x0  }
0x5a: {  	vm3 =	vgt.f32 v4, $0.0e+00;
	(v2sf) =	vpush v0, $0x5  }
0x5b: {  	v4 =	vmpcnt.ones.xlane vm3;
	(v2sf) =	vpush v30, $0x0  }
0x5c: {  	(v2sf) =	vpush v0, $0x6  }
0x5d: {  	(v2sf) =	vpush v4, $0x0  }
0x5e: {  	s12 =	spop (v2sf);
	(v2sf) =	vpush v0, $0x7  }
0x5f: {  	s13 =	spop (v2sf)  }
0x60: {  	p4 =	sgt.s32 s12, $0x0;
	s14 =	spop (v2sf)  }
0x61: {  	v31 =	vld [tilespmem:$0x4];
	s13 =	simm.s32 @p4 $0xFF800000;
	s18 =	spop (v2sf);
	v32 =	vmax.f32 v23, $5.000000000e-01;
	v6 =	vpop (erf)  }
0x62: {  	v33 =	vld [tilespmem:$0x18];
	p5 =	sgt.s32 s14, $0x0;
	s19 =	spop (v2sf);
	s12 =	smax.f32 s13, s18;
	v6 =	vsub.f32 v6, v32  }
0x63: {  	v34 =	vld [tilespmem:$0x14];
	s12 =	smov.u32 @p5 s13;
	s20 =	spop (v2sf)  }
0x64: {  	v35 =	vld [tilespmem:$0x2C];
	p3 =	sgt.s32 s19, $0x0;
	s21 =	spop (v2sf);
	s13 =	smax.f32 s12, s20;
	v6 =	vadd.f32 $1.000000010e-01, v6  }
0x65: {  	v36 =	vld [tilespmem:$0x28];
	s13 =	smov.u32 @p3 s12;
	s22 =	spop (v2sf)  }
0x66: {  	v4 =	vsel vm0, $0xFF800000, v31;
	p1 =	sgt.s32 s21, $0x0;
	s23 =	spop (v2sf);
	s12 =	smax.f32 s13, s22;
	v37 =	vmul.f32 $-5.000000000e+00, v6  }
0x67: {  	v40 =	vld [tilespmem:$0x3C];
	v39 =	vsel vm0, $0xFF800000, v33;
	v38 =	vmax.f32 v0, v4;
	s12 =	smov.u32 @p1 s13;
	s24 =	spop (v2sf)  }
0x68: {  	v41 =	vld [tilespmem:$0x54];
	v4 =	vmax.f32 v34, v39;
	v0 =	vpsel !p4, $0xFF800000, v38;
	p2 =	sgt.s32 s23, $0x0;
	s25 =	spop (v2sf);
	s13 =	smax.f32 s12, s24;
	v11 =	vmul.f32 $1.442695020e+00, v37  }
0x69: {  	v9 =	vsel vm0, $0xFF800000, v35;
	v4 =	vpsel p4, v0, v4;
	p6 =	por p5, p4;
	s13 =	smov.u32 @p2 s12;
	s26 =	spop (v2sf)  }
0x6a: {  	v43 =	vld [tilespmem:$0x68];
	v42 =	vmax.f32 v36, v9;
	v0 =	vpsel p5, v4, v0;
	p4 =	sgt.s32 s25, $0x0;
	s28 =	spop (v2sf);
	s12 =	smax.f32 s13, s26;
	(erf) = vpow2.f32 v11  }
0x6b: {  	v3 =	vsel vm0, $0xFF800000, v47;
	v44 =	vld [tilespmem:$0x64];
	v4 =	vpsel p6, v0, v42;
	p6 =	por p3, p6;
	s12 =	smov.u32 @p4 s13;
	s29 =	spop (v2sf)  }
0x6c: {  	v3 =	vmax.f32 v40, v3;
	v45 =	vld [tilespmem:$0x7C];
	v0 =	vpsel p3, v4, v0;
	p3 =	sgt.s32 s28, $0x0;
	s30 =	spop (v2sf);
	s13 =	smax.f32 s12, s29  }
0x6d: {  	v46 =	vsel vm0, $0xFF800000, v41;
	v47 =	vld [tilespmem:$0x78];
	v3 =	vpsel p6, v0, v3;
	s13 =	smov.u32 @p3 s12;
	s31 =	spop (v2sf)  }
0x6e: {  	v2 =	vmax.f32 v2, v46;
	v0 =	vpsel p1, v3, v0;
	p5 =	por p1, p6;
	p1 =	sgt.s32 s30, $0x0;
	s12 =	smax.f32 s13, s31  }
0x6f: {  	v48 =	vsel vm0, $0xFF800000, v43;
	v49 =	vld [tilespmem:$0x8C];
	v2 =	vpsel p5, v0, v2;
	s12 =	smov.u32 @p1 s13  }
0x70: {  	v50 =	vmax.f32 v44, v48;
	v0 =	vpsel p2, v2, v0;
	p2 =	por p2, p5;
	v51 =	vmov s12  }
0x71: {  	v4 =	vsel vm0, $0xFF800000, v45;
	v2 =	vpsel p2, v0, v50;
	v3 =	vsub.f32 $0.0e+00, v51  }
0x72: {  	v52 =	vmax.f32 v47, v4;
	p2 =	por p4, p2;
	v0 =	vpsel p4, v2, v0  }
0x73: {  	v1 =	vsel vm0, $0xFF800000, v1;
	v2 =	vpsel p2, v0, v52;
	v3 =	vmul.f32 $1.442695020e+00, v3;
	v53 =	vpop (erf)  }
0x74: {  	v1 =	vmax.f32 v49, v1;
	p2 =	por p3, p2;
	v0 =	vpsel p3, v2, v0;
	v54 =	vadd.f32 $1.000000000e+00, v53  }
0x75: {  	v1 =	vpsel p2, v0, v1;
	v3 =	vbroadcast v3, $0x0  }
0x76: {  	v0 =	vpsel p1, v1, v0;
	(erf) = vrcp.f32 v54  }
0x77: {  	(xrf0) =	vmax.scan.msk.f32 $0xffff, v0;
	(erf) = vpow2.f32 v3;
	_ =	sdelay $0x5  }
0x78: {  	v0, _, _ =	vpop (xrf0)  }
0x79: {  	v0 =	vsub.f32 $0.0e+00, v0  }
0x7a: {  	v55 =	vpop (erf)  }
0x7b: {  	v0 =	vmul.f32 $1.442695020e+00, v0;
	v56 =	vpop (erf)  }
0x7c: {  	v2 =	vadd.f32 $1.000000000e+00, v56  }
0x7d: {  	v0 =	vbroadcast v0, $0xF  }
0x7e: {  	(erf) = vrcp.f32 v2  }
0x7f: {  	(erf) = vpow2.f32 v0;
	_ =	sdelay $0x7  }
0x80: {  	v57 =	vpop (erf)  }
0x81: {  	v58 =	vpop (erf)  }
0x82: {  	v2 =	vadd.f32 $1.000000000e+00, v58;
	_ =	sdelay $0x1  }
0x83: {  	(erf) = vrcp.f32 v2;
	_ =	sdelay $0x8  }
0x84: {  	v0 =	vmax.f32 v57, v32;
	v2 =	vpop (erf)  }
0x85: {  	v0 =	vsub.f32 v0, v2;
	_ =	sdelay $0x1  }
0x86: {  	v0 =	vadd.f32 $1.000000010e-01, v0;
	_ =	sdelay $0x1  }
0x87: {  	v59 =	vmul.f32 $-5.000000000e+00, v0;
	_ =	sdelay $0x1  }
0x88: {  	v2 =	vmul.f32 $1.442695020e+00, v59;
	_ =	sdelay $0x1  }
0x89: {  	(erf) = vpow2.f32 v2;
	_ =	sdelay $0x8  }
0x8a: {  	v2 =	vpop (erf)  }
0x8b: {  	v2 =	vadd.f32 $1.000000000e+00, v2;
	_ =	sdelay $0x1  }
0x8c: {  	(erf) = vrcp.f32 v2;
	_ =	sdelay $0x8  }
0x8d: {  	v2 =	vpop (erf)  }
0x8e: {  	v60 =	vadd.f32 v55, v55;
	v61 =	vadd.f32 v2, v2  }
0x8f: {  	vm3 =	vgt.f32 v6, $0.0e+00;
	vm4 =	vgt.f32 v0, $0.0e+00  }
0x90: {  	v62 =	vsel vm3, v60, v55;
	v63 =	vsel vm4, v61, v2;
	v2 =	vlaneseq.u32 @p0  }
0x91: {  	v0 =	vpsel p2, v63, v62  }
0x92: {  	v0 =	vpsel p1, v63, v0  }
0x93: {  	[tilespmem:$0x2700] =	vst v0  }
0x94: {  	s12 =	simm.s32 @p0 $0x2700;
	[bflag:$0x0] =	sbarrier.arrive @p0 $0xFFFF  }
0x95: {  	[spmem:s1] =	stream.indirect_vreg.scatter.add.f32 @p0 [tilespmem:s12], [sflag:$0x1], $0x1, v2, vm1, $0xb8;
	[tilespmem:$0x2808] =	vst v63  }
0x96: {  	s12 =	simm.s32 @p0 $0x1  }
0x97: {  	_ =	swait.ge @p0 [sflag:s12], $0x10  }
0x98: {  	[sflag:s12] =	ssyncset.done @p0 $0x0  }
0x99: {  	[sflag:s12] =	ssyncadd.s32 @p0 $0xFFFFFFF0  }
0x9a: {  	v0 =	vimm.f32 @!p0 $0.0e+00;
	[bflag:$0x0] =	sbarrier.arrive @p0 $0xFFFF  }
0x9b: {  	s13 =	simm.s32 @!p0 $0x1;
	s12 =	simm.s32 @!p0 $0x2780;
	[tilespmem:$0x2780] =	vst @!p0 v0  }
0x9c: {  	v0 =	vlaneseq.u32 @!p0;
	[spmem:s1] =	stream.linear.scatter @!p0 [tilespmem:s12], [sflag:$0x1], $0x80, $0x38;
	[tilespmem:$0x2808] =	vst v63  }
0x9d: {  	_ =	swait.ge @!p0 [sflag:s13], $0x80  }
0x9e: {  	[sflag:s13] =	ssyncset.done @!p0 $0x0  }
0x9f: {  	[sflag:s13] =	ssyncadd.s32 @!p0 $0xFFFFFF80  }
0xa0: {  	s14 =	simm.s32 @!p0 $0x2700;
	[bflag:$0x0] =	sbarrier.arrive @!p0 $0xFFFF  }
0xa1: {  	[spmem:s1] =	stream.indirect_vreg.scatter.add.f32 @!p0 [tilespmem:s14], [sflag:$0x1], $0x1, v0, vm2, $0xb8;
	[tilespmem:$0x2808] =	vst v63  }
0xa2: {  	_ =	swait.ge @!p0 [sflag:s13], $0x10  }
0xa3: {  	[sflag:s13] =	ssyncset.done @!p0 $0x0  }
0xa4: {  	[sflag:s13] =	ssyncadd.s32 @!p0 $0xFFFFFFF0  }
0xa5: {  	[bflag:$0x0] =	sbarrier.arrive @!p0 $0xFFFF  }
0xa6: {  	[tilespmem:s12], [sflag:$0x1] =	stream.linear.gather @!p0 [spmem:s1], $0x80, $0x38;
	[tilespmem:$0x2808] =	vst v63  }
0xa7: {  	s11 =	sadd.s32 $0x1, s11;
	_ =	swait.ge @!p0 [sflag:s13], $0x80  }
0xa8: {  	p1 =	sne.s32 s11, s6;
	[sflag:s13] =	ssyncset.done @!p0 $0x0  }
.Ltmp1:
0xa9: {  	s14 =	simm.s32 @!p0 $0x0;
	[sflag:s13] =	ssyncadd.s32 @!p0 $0xFFFFFF80;
	(pc) =	sbr.rel @p1 .LBB2_1-.Ltmp1, $4  }
0xaa: {  	[hbm4b:s5+s14] =	stream.linear.scatter @!p0 [tilespmem:s12], [sflag:$0x1], $0x80, $0x38;
	[tilespmem:$0x2808] =	vst v63  }
0xab: {  	_ =	swait.ge @!p0 [sflag:s13], $0x80  }
0xac: {  	[sflag:s13] =	ssyncset.done @!p0 $0x0  }
0xad: {  	[sflag:s13] =	ssyncadd.s32 @!p0 $0xFFFFFF80  }
0xae: {  	_ =	sfence.sel $0x180000  }
0xaf: {  	[bflag:$0x0] =	sbarrier.arrive $0xFFFF  }
0xb0: {  	_ =	strace $0x90000047  }
0xb1: {  	s0 =	sadd.s32 @!p0 $0x100000, s0;
	[bflag:$0x2] =	sbarrier.arrive $0xFFFF  }
0xb2: {  	[sflag:s0] =	ssyncadd.tile.s32 @!p0 $0x1;
	_ =	shalt  }
.Lfunc_end2:
_tile_overlayer_lowered:
.L_overlay_start_2:
0xb3: {  	(tag) =	ssettag $0x2  }
0xb4: {  	s0 =	rddreg [dreg:$0x0];
	s2 =	stileid.u32  }
0xb5: {  	s1 =	rddreg [dreg:$0x1];
	p0 =	sne.s32 s2, $0x0  }
0xb6: {  	s3 =	rddreg [dreg:$0x2];
	[bflag:$0x3] =	sbarrier.arrive $0xFFFF;
	s2 =	simm.s32 @!p0 $0x1C01  }
0xb7: {  	[timem:s3], [sflag:s2] =	dma.local @!p0 [hbm:s0], s1  }
0xb8: {  	s0 =	simm.s32 @!p0 $0x1  }
0xb9: {  	_ =	swait.ge @!p0 [sflag:s0], s1  }
0xba: {  	s1 =	ssub.s32 @!p0 $0x0, s1;
	[sflag:s0] =	ssyncset.done @!p0 $0x0  }
0xbb: {  	[sflag:s0] =	ssyncadd.s32 @!p0 s1  }
0xbc: {  	[bflag:$0x3] =	sbarrier.arrive $0xFFFF  }
0xbd: {  	_ =	shalt  }

</sc_bundles>
